<compile_context>
chip_gen: v7x
topology: tpu7x:2x2x1
jax: 0.10.2.dev20260603
libtpu: 0.0.44.dev20260713+nightly
codegen_flags: <defaults>
</compile_context>

<pallas_src>
import functools

import jax
import jax.numpy as jnp
from jax import lax
from jax.experimental import pallas as pl
from jax.experimental.pallas import tpu as pltpu
from jax.experimental.pallas import tpu_sc as plsc

N = 100000
D = 128
K = 5
B = 16384
NW = 32
PER_W = B // NW
CH = 128
NCH = PER_W // CH
NB = 3


def _sc_gather_one(state, last_t, idx):
    mesh = plsc.VectorSubcoreMesh(core_axis_name="c", subcore_axis_name="s")

    @functools.partial(
        pl.kernel,
        out_type=(
            jax.ShapeDtypeStruct((B, D), jnp.float32),
            jax.ShapeDtypeStruct((B,), jnp.float32),
        ),
        mesh=mesh,
        scratch_types=[
            pltpu.VMEM((PER_W,), jnp.int32),
            pltpu.VMEM((NB, CH, D), jnp.float32),
            pltpu.VMEM((PER_W,), jnp.float32),
            pltpu.SemaphoreType.DMA,
            pltpu.SemaphoreType.DMA,
            pltpu.SemaphoreType.DMA,
            pltpu.SemaphoreType.DMA,
            pltpu.SemaphoreType.DMA,
            pltpu.SemaphoreType.DMA,
        ],
    )
    def k(state_hbm, lastt_hbm, idx_hbm, rows_out, lt_out,
          idx_v, rows_v, lt_v, sem_lt, s0, s1, s2, w0, w1):
        sems = (s0, s1, s2)
        wsems = (w0, w1)
        wid = lax.axis_index("s") * 2 + lax.axis_index("c")
        base_w = wid * PER_W
        pltpu.sync_copy(idx_hbm.at[pl.ds(base_w, PER_W)], idx_v)
        lt_cps = [
            pltpu.async_copy(lastt_hbm.at[idx_v.at[pl.ds(j * CH, CH)]],
                             lt_v.at[pl.ds(j * CH, CH)], sem_lt)
            for j in range(NCH)
        ]
        gcp = [None] * NCH
        wcp = [None] * NCH
        for j in range(NB - 1):
            gcp[j] = pltpu.async_copy(
                state_hbm.at[idx_v.at[pl.ds(j * CH, CH)]],
                rows_v.at[j % NB], sems[j % NB])
        for j in range(NCH):
            nxt = j + NB - 1
            if nxt < NCH:
                if nxt - NB >= 0:
                    for cp in wcp[nxt - NB]:
                        cp.wait()
                gcp[nxt] = pltpu.async_copy(
                    state_hbm.at[idx_v.at[pl.ds(nxt * CH, CH)]],
                    rows_v.at[nxt % NB], sems[nxt % NB])
            gcp[j].wait()
            wcp[j] = (
                pltpu.async_copy(
                    rows_v.at[j % NB],
                    rows_out.at[pl.ds(base_w + j * CH, CH)], wsems[j % 2]),
            )
        for j in range(max(0, NCH - NB), NCH):
            for cp in wcp[j]:
                cp.wait()
        for cp in lt_cps:
            cp.wait()
        pltpu.sync_copy(lt_v, lt_out.at[pl.ds(base_w, PER_W)])

    return k(state, last_t, idx)


_RB = 2048
_NBLK = B // _RB


def _tc_body(ld_ref, rows_ref, lt_ref, t_ref, w1t_ref,
             b1_ref, w2t_ref, b2_ref, out_ref):
    ltv = lt_ref[...]
    tv = t_ref[...]
    dt = jnp.maximum(tv - ltv, 0.0)
    ld = ld_ref[0, 0]
    decay = jnp.log1p(jnp.exp(jnp.full((128,), ld, jnp.float32)))[0]
    gate = jnp.exp(-decay * dt)
    x = rows_ref[...].astype(jnp.bfloat16)
    yt = lax.dot_general(w1t_ref[...], x, (((1,), (1,)), ((), ())),
                         preferred_element_type=jnp.float32)
    ht = jnp.maximum(yt * gate[None, :] + b1_ref[...], 0.0)
    logits_t = jnp.dot(w2t_ref[...], ht.astype(jnp.bfloat16),
                       preferred_element_type=jnp.float32) + b2_ref[...]
    m = jnp.max(logits_t, axis=0, keepdims=True)
    e = jnp.exp(logits_t - m)
    out_ref[...] = e / jnp.sum(e, axis=0, keepdims=True)


def _tc_mlp_one(rows, lt_g, t, ld, w1t, b1c, w2t, b2c, interpret=False):
    return pl.pallas_call(
        _tc_body,
        grid=(_NBLK,),
        in_specs=[
            pl.BlockSpec(memory_space=pltpu.SMEM),
            pl.BlockSpec((_RB, D), lambda i: (i, 0)),
            pl.BlockSpec((_RB,), lambda i: (i,)),
            pl.BlockSpec((_RB,), lambda i: (i,)),
            pl.BlockSpec((D, D), lambda i: (0, 0)),
            pl.BlockSpec((D, 1), lambda i: (0, 0)),
            pl.BlockSpec((K, D), lambda i: (0, 0)),
            pl.BlockSpec((K, 1), lambda i: (0, 0)),
        ],
        out_specs=pl.BlockSpec((K, _RB), lambda i: (0, i)),
        out_shape=jax.ShapeDtypeStruct((K, B), jnp.float32),
        interpret=interpret,
    )(ld, rows, lt_g, t, w1t, b1c, w2t, b2c)


def kernel(source_nodes, destination_nodes, negative_nodes, edge_times,
           edge_idxs, state, last_t, log_decay, W1, b1, W2, b2):
    ld = jnp.reshape(log_decay, (1, 1))
    w1t = W1.T.astype(jnp.bfloat16)
    w2t = W2.T.astype(jnp.bfloat16)
    b1c = b1.reshape(D, 1)
    b2c = b2.reshape(K, 1)
    outs = []
    for idx in (source_nodes, destination_nodes, negative_nodes):
        rows, lt_g = _sc_gather_one(state, last_t, idx)
        outs.append(_tc_mlp_one(rows, lt_g, edge_times, ld,
                                w1t, b1c, w2t, b2c).T)
    return tuple(outs)

# --- scband reference (transcript-rebuilt; emitter-appended) ---
"""Pipeline reference for scband-community-model-19267223290042 (READ-ONLY COPY).

The authoritative reference and input builder live on the scoring server;
editing this copy changes nothing except your own understanding.
"""

import jax, jax.numpy as jnp
import numpy as np

N = 100000   # n_nodes
D = 128      # embedding_dim
K = 5        # num_communities
B = 16384    # event batch
E = 1600000  # n_edges


def setup_inputs(seed: int = 0) -> dict:
    key = jax.random.key(seed)
    ks = jax.random.split(key, 12)
    source_nodes = jax.random.randint(ks[0], (B,), 0, N, dtype=jnp.int32)
    destination_nodes = jax.random.randint(ks[1], (B,), 0, N, dtype=jnp.int32)
    negative_nodes = jax.random.randint(ks[2], (B,), 0, N, dtype=jnp.int32)
    edge_times = jax.random.uniform(ks[3], (B,), dtype=jnp.float32)
    edge_idxs = jax.random.randint(ks[4], (B,), 0, E, dtype=jnp.int32)
    # learned / stateful parameters
    state = jax.random.normal(ks[5], (N, D), dtype=jnp.float32) * 0.1
    last_t = jax.random.uniform(ks[6], (N,), dtype=jnp.float32) * 0.5
    log_decay = jnp.zeros((), dtype=jnp.float32)
    W1 = jax.random.normal(ks[7], (D, D), dtype=jnp.float32) * (1.0 / np.sqrt(D))
    b1 = jnp.zeros((D,), dtype=jnp.float32)
    W2 = jax.random.normal(ks[8], (D, K), dtype=jnp.float32) * (1.0 / np.sqrt(D))
    b2 = jnp.zeros((K,), dtype=jnp.float32)
    return {
        "source_nodes": source_nodes,
        "destination_nodes": destination_nodes,
        "negative_nodes": negative_nodes,
        "edge_times": edge_times,
        "edge_idxs": edge_idxs,
        "state": state,
        "last_t": last_t,
        "log_decay": log_decay,
        "W1": W1,
        "b1": b1,
        "W2": W2,
        "b2": b2,
    }


def _community_mlp(x, W1, b1, W2, b2):
    # Linear -> ReLU -> (Dropout eval=identity) -> Linear -> Softmax
    h = jax.nn.relu(x @ W1 + b1)
    logits = h @ W2 + b2
    return jax.nn.softmax(logits, axis=-1)


def reference(source_nodes, destination_nodes, negative_nodes, edge_times, edge_idxs,
              state, last_t, log_decay, W1, b1, W2, b2):
    # compute_community_prob with 1D negatives; edge_idxs is accepted but unused
    decay = jax.nn.softplus(log_decay)

    def proj_state(nodes, t):
        last = jnp.take(last_t, nodes, axis=0)
        dt = jnp.clip(t - last, 0.0, None)
        s = jnp.take(state, nodes, axis=0)
        gate = jnp.exp(-decay * dt)[..., None]
        return s * gate

    ts = edge_times
    s_src = proj_state(source_nodes, ts)
    s_dst = proj_state(destination_nodes, ts)
    s_neg = proj_state(negative_nodes, ts)

    p_src = _community_mlp(s_src, W1, b1, W2, b2)
    p_dst = _community_mlp(s_dst, W1, b1, W2, b2)
    p_neg = _community_mlp(s_neg, W1, b1, W2, b2)
    return (p_src, p_dst, p_neg)

if __name__ == "__main__":
    import jax
    _d = setup_inputs()
    print(jax.jit(kernel)(*tuple(_d.values())))

</pallas_src>

<mosaic_0001>
#map = affine_map<(d0, d1) -> (0, 0)>
#map1 = affine_map<(d0, d1) -> (0)>
module attributes {stable_mosaic.version = 14 : i64} {
  func.func @k(%arg0: i32, %arg1: i32, %arg2: memref<100000x128xf32, #tpu.memory_space<hbm>>, %arg3: memref<100000xf32, #tpu.memory_space<hbm>>, %arg4: memref<16384xi32, #tpu.memory_space<hbm>>, %arg5: memref<16384x128xf32, #tpu.memory_space<hbm>>, %arg6: memref<16384xf32, #tpu.memory_space<hbm>>, %arg7: memref<512xi32, #tpu.memory_space<vmem>>, %arg8: memref<3x128x128xf32, #tpu.memory_space<vmem>>, %arg9: memref<512xf32, #tpu.memory_space<vmem>>, %arg10: memref<!tpu.dma_semaphore, #tpu.memory_space<semaphore_mem>>, %arg11: memref<!tpu.dma_semaphore, #tpu.memory_space<semaphore_mem>>, %arg12: memref<!tpu.dma_semaphore, #tpu.memory_space<semaphore_mem>>, %arg13: memref<!tpu.dma_semaphore, #tpu.memory_space<semaphore_mem>>, %arg14: memref<!tpu.dma_semaphore, #tpu.memory_space<semaphore_mem>>, %arg15: memref<!tpu.dma_semaphore, #tpu.memory_space<semaphore_mem>>) attributes {dimension_semantics = [#tpu.dimension_semantics<core_parallel>, #tpu.dimension_semantics<subcore_parallel>], iteration_bounds = array<i64: 2, 16>, scalar_prefetch = 0 : i64, scratch_operands = 9 : i64, tpu.core_type = #tpu.core_type<sc_vector_subcore>, window_params = [{transform_indices = #map}, {transform_indices = #map1}, {transform_indices = #map1}, {transform_indices = #map}, {transform_indices = #map1}]} {
    %mul3A = arith.constant 2 : i32
    %mul3A_0 = arith.muli %arg1, %mul3A : i32
    %add3A = arith.addi %mul3A_0, %arg0 : i32
    %mul3A_1 = arith.constant 512 : i32
    %mul3A_2 = arith.muli %add3A, %mul3A_1 : i32
    "tpu.region"() ({
      %run_scoped3A = tpu.sem_alloc : memref<!tpu.dma_semaphore, #tpu.memory_space<semaphore_mem>>
      %dma_start3A_241 = tpu.memref_slice %arg4[%mul3A_2] : memref<16384xi32, #tpu.memory_space<hbm>> -> memref<512xi32, #tpu.memory_space<hbm>>
      %dma_start3A_242 = tpu.memref_slice %arg4[%mul3A_2] : memref<16384xi32, #tpu.memory_space<hbm>> -> memref<512xi32, #tpu.memory_space<hbm>>
      tpu.enqueue_dma source(%dma_start3A_242 : memref<512xi32, #tpu.memory_space<hbm>>) target(%arg7 : memref<512xi32, #tpu.memory_space<vmem>>) target_semaphore(%run_scoped3A : memref<!tpu.dma_semaphore, #tpu.memory_space<semaphore_mem>>)
      %dma_wait3A_243 = tpu.memref_slice %arg4[%mul3A_2] : memref<16384xi32, #tpu.memory_space<hbm>> -> memref<512xi32, #tpu.memory_space<hbm>>
      %dma_wait3A_244 = tpu.memref_slice %arg4[%mul3A_2] : memref<16384xi32, #tpu.memory_space<hbm>> -> memref<512xi32, #tpu.memory_space<hbm>>
      tpu.wait_dma2 semaphore(%run_scoped3A : memref<!tpu.dma_semaphore, #tpu.memory_space<semaphore_mem>>) src(%dma_wait3A_244 : memref<512xi32, #tpu.memory_space<hbm>>) dst(%arg7 : memref<512xi32, #tpu.memory_space<vmem>>)
      tpu.yield
    }) : () -> ()
    %dma_start3A = arith.constant 0 : i32
    %dma_start3A_3 = tpu.memref_slice %arg9[%dma_start3A] : memref<512xf32, #tpu.memory_space<vmem>> -> memref<128xf32, #tpu.memory_space<vmem>>
    %dma_start3A_4 = arith.constant 0 : i32
    %dma_start3A_5 = tpu.memref_slice %arg7[%dma_start3A_4] : memref<512xi32, #tpu.memory_space<vmem>> -> memref<128xi32, #tpu.memory_space<vmem>>
    %dma_start3A_6 = arith.constant 0 : i32
    %dma_start3A_7 = tpu.memref_slice %arg3[%dma_start3A_6] : memref<100000xf32, #tpu.memory_space<hbm>> -> memref<100000xf32, #tpu.memory_space<hbm>>
    tpu.enqueue_indirect_dma source(%dma_start3A_7 : memref<100000xf32, #tpu.memory_space<hbm>>) target(%dma_start3A_3 : memref<128xf32, #tpu.memory_space<vmem>>) offsets(%dma_start3A_5 : memref<128xi32, #tpu.memory_space<vmem>>) semaphore(%arg10 : memref<!tpu.dma_semaphore, #tpu.memory_space<semaphore_mem>>)
    %dma_start3A_8 = arith.constant 128 : i32
    %dma_start3A_9 = tpu.memref_slice %arg9[%dma_start3A_8] : memref<512xf32, #tpu.memory_space<vmem>> -> memref<128xf32, #tpu.memory_space<vmem>>
    %dma_start3A_10 = arith.constant 128 : i32
    %dma_start3A_11 = tpu.memref_slice %arg7[%dma_start3A_10] : memref<512xi32, #tpu.memory_space<vmem>> -> memref<128xi32, #tpu.memory_space<vmem>>
    %dma_start3A_12 = arith.constant 0 : i32
    %dma_start3A_13 = tpu.memref_slice %arg3[%dma_start3A_12] : memref<100000xf32, #tpu.memory_space<hbm>> -> memref<100000xf32, #tpu.memory_space<hbm>>
    tpu.enqueue_indirect_dma source(%dma_start3A_13 : memref<100000xf32, #tpu.memory_space<hbm>>) target(%dma_start3A_9 : memref<128xf32, #tpu.memory_space<vmem>>) offsets(%dma_start3A_11 : memref<128xi32, #tpu.memory_space<vmem>>) semaphore(%arg10 : memref<!tpu.dma_semaphore, #tpu.memory_space<semaphore_mem>>)
    %dma_start3A_14 = arith.constant 256 : i32
    %dma_start3A_15 = tpu.memref_slice %arg9[%dma_start3A_14] : memref<512xf32, #tpu.memory_space<vmem>> -> memref<128xf32, #tpu.memory_space<vmem>>
    %dma_start3A_16 = arith.constant 256 : i32
    %dma_start3A_17 = tpu.memref_slice %arg7[%dma_start3A_16] : memref<512xi32, #tpu.memory_space<vmem>> -> memref<128xi32, #tpu.memory_space<vmem>>
    %dma_start3A_18 = arith.constant 0 : i32
    %dma_start3A_19 = tpu.memref_slice %arg3[%dma_start3A_18] : memref<100000xf32, #tpu.memory_space<hbm>> -> memref<100000xf32, #tpu.memory_space<hbm>>
    tpu.enqueue_indirect_dma source(%dma_start3A_19 : memref<100000xf32, #tpu.memory_space<hbm>>) target(%dma_start3A_15 : memref<128xf32, #tpu.memory_space<vmem>>) offsets(%dma_start3A_17 : memref<128xi32, #tpu.memory_space<vmem>>) semaphore(%arg10 : memref<!tpu.dma_semaphore, #tpu.memory_space<semaphore_mem>>)
    %dma_start3A_20 = arith.constant 384 : i32
    %dma_start3A_21 = tpu.memref_slice %arg9[%dma_start3A_20] : memref<512xf32, #tpu.memory_space<vmem>> -> memref<128xf32, #tpu.memory_space<vmem>>
    %dma_start3A_22 = arith.constant 384 : i32
    %dma_start3A_23 = tpu.memref_slice %arg7[%dma_start3A_22] : memref<512xi32, #tpu.memory_space<vmem>> -> memref<128xi32, #tpu.memory_space<vmem>>
    %dma_start3A_24 = arith.constant 0 : i32
    %dma_start3A_25 = tpu.memref_slice %arg3[%dma_start3A_24] : memref<100000xf32, #tpu.memory_space<hbm>> -> memref<100000xf32, #tpu.memory_space<hbm>>
    tpu.enqueue_indirect_dma source(%dma_start3A_25 : memref<100000xf32, #tpu.memory_space<hbm>>) target(%dma_start3A_21 : memref<128xf32, #tpu.memory_space<vmem>>) offsets(%dma_start3A_23 : memref<128xi32, #tpu.memory_space<vmem>>) semaphore(%arg10 : memref<!tpu.dma_semaphore, #tpu.memory_space<semaphore_mem>>)
    %dma_start3A_26 = arith.constant 0 : i32
    %dma_start3A_27 = arith.constant 0 : i32
    %dma_start3A_28 = arith.constant 0 : i32
    %dma_start3A_29 = tpu.memref_slice %arg8[%dma_start3A_26, %dma_start3A_27, %dma_start3A_28] : memref<3x128x128xf32, #tpu.memory_space<vmem>> -> memref<1x128x128xf32, #tpu.memory_space<vmem>>
    %dma_start3A_30 = tpu.memref_squeeze %dma_start3A_29 : memref<1x128x128xf32, #tpu.memory_space<vmem>> -> memref<128x128xf32, #tpu.memory_space<vmem>>
    %dma_start3A_31 = arith.constant 0 : i32
    %dma_start3A_32 = tpu.memref_slice %arg7[%dma_start3A_31] : memref<512xi32, #tpu.memory_space<vmem>> -> memref<128xi32, #tpu.memory_space<vmem>>
    %dma_start3A_33 = arith.constant 0 : i32
    %dma_start3A_34 = arith.constant 0 : i32
    %dma_start3A_35 = tpu.memref_slice %arg2[%dma_start3A_33, %dma_start3A_34] : memref<100000x128xf32, #tpu.memory_space<hbm>> -> memref<100000x128xf32, #tpu.memory_space<hbm>>
    tpu.enqueue_indirect_dma source(%dma_start3A_35 : memref<100000x128xf32, #tpu.memory_space<hbm>>) target(%dma_start3A_30 : memref<128x128xf32, #tpu.memory_space<vmem>>) offsets(%dma_start3A_32 : memref<128xi32, #tpu.memory_space<vmem>>) semaphore(%arg11 : memref<!tpu.dma_semaphore, #tpu.memory_space<semaphore_mem>>)
    %dma_start3A_36 = arith.constant 1 : i32
    %dma_start3A_37 = arith.constant 0 : i32
    %dma_start3A_38 = arith.constant 0 : i32
    %dma_start3A_39 = tpu.memref_slice %arg8[%dma_start3A_36, %dma_start3A_37, %dma_start3A_38] : memref<3x128x128xf32, #tpu.memory_space<vmem>> -> memref<1x128x128xf32, #tpu.memory_space<vmem>>
    %dma_start3A_40 = tpu.memref_squeeze %dma_start3A_39 : memref<1x128x128xf32, #tpu.memory_space<vmem>> -> memref<128x128xf32, #tpu.memory_space<vmem>>
    %dma_start3A_41 = arith.constant 128 : i32
    %dma_start3A_42 = tpu.memref_slice %arg7[%dma_start3A_41] : memref<512xi32, #tpu.memory_space<vmem>> -> memref<128xi32, #tpu.memory_space<vmem>>
    %dma_start3A_43 = arith.constant 0 : i32
    %dma_start3A_44 = arith.constant 0 : i32
    %dma_start3A_45 = tpu.memref_slice %arg2[%dma_start3A_43, %dma_start3A_44] : memref<100000x128xf32, #tpu.memory_space<hbm>> -> memref<100000x128xf32, #tpu.memory_space<hbm>>
    tpu.enqueue_indirect_dma source(%dma_start3A_45 : memref<100000x128xf32, #tpu.memory_space<hbm>>) target(%dma_start3A_40 : memref<128x128xf32, #tpu.memory_space<vmem>>) offsets(%dma_start3A_42 : memref<128xi32, #tpu.memory_space<vmem>>) semaphore(%arg12 : memref<!tpu.dma_semaphore, #tpu.memory_space<semaphore_mem>>)
    %dma_start3A_46 = arith.constant 2 : i32
    %dma_start3A_47 = arith.constant 0 : i32
    %dma_start3A_48 = arith.constant 0 : i32
    %dma_start3A_49 = tpu.memref_slice %arg8[%dma_start3A_46, %dma_start3A_47, %dma_start3A_48] : memref<3x128x128xf32, #tpu.memory_space<vmem>> -> memref<1x128x128xf32, #tpu.memory_space<vmem>>
    %dma_start3A_50 = tpu.memref_squeeze %dma_start3A_49 : memref<1x128x128xf32, #tpu.memory_space<vmem>> -> memref<128x128xf32, #tpu.memory_space<vmem>>
    %dma_start3A_51 = arith.constant 256 : i32
    %dma_start3A_52 = tpu.memref_slice %arg7[%dma_start3A_51] : memref<512xi32, #tpu.memory_space<vmem>> -> memref<128xi32, #tpu.memory_space<vmem>>
    %dma_start3A_53 = arith.constant 0 : i32
    %dma_start3A_54 = arith.constant 0 : i32
    %dma_start3A_55 = tpu.memref_slice %arg2[%dma_start3A_53, %dma_start3A_54] : memref<100000x128xf32, #tpu.memory_space<hbm>> -> memref<100000x128xf32, #tpu.memory_space<hbm>>
    tpu.enqueue_indirect_dma source(%dma_start3A_55 : memref<100000x128xf32, #tpu.memory_space<hbm>>) target(%dma_start3A_50 : memref<128x128xf32, #tpu.memory_space<vmem>>) offsets(%dma_start3A_52 : memref<128xi32, #tpu.memory_space<vmem>>) semaphore(%arg13 : memref<!tpu.dma_semaphore, #tpu.memory_space<semaphore_mem>>)
    %dma_wait3A = arith.constant 0 : i32
    %dma_wait3A_56 = arith.constant 0 : i32
    %dma_wait3A_57 = arith.constant 0 : i32
    %dma_wait3A_58 = tpu.memref_slice %arg8[%dma_wait3A, %dma_wait3A_56, %dma_wait3A_57] : memref<3x128x128xf32, #tpu.memory_space<vmem>> -> memref<1x128x128xf32, #tpu.memory_space<vmem>>
    %dma_wait3A_59 = tpu.memref_squeeze %dma_wait3A_58 : memref<1x128x128xf32, #tpu.memory_space<vmem>> -> memref<128x128xf32, #tpu.memory_space<vmem>>
    %dma_wait3A_60 = arith.constant 0 : i32
    %dma_wait3A_61 = tpu.memref_slice %arg7[%dma_wait3A_60] : memref<512xi32, #tpu.memory_space<vmem>> -> memref<128xi32, #tpu.memory_space<vmem>>
    %dma_wait3A_62 = arith.constant 0 : i32
    %dma_wait3A_63 = arith.constant 0 : i32
    %dma_wait3A_64 = tpu.memref_slice %arg2[%dma_wait3A_62, %dma_wait3A_63] : memref<100000x128xf32, #tpu.memory_space<hbm>> -> memref<100000x128xf32, #tpu.memory_space<hbm>>
    tpu.wait_indirect_dma semaphore(%arg11 : memref<!tpu.dma_semaphore, #tpu.memory_space<semaphore_mem>>) src(%dma_wait3A_64 : memref<100000x128xf32, #tpu.memory_space<hbm>>) dst(%dma_wait3A_59 : memref<128x128xf32, #tpu.memory_space<vmem>>)
    %add3A_65 = arith.constant 0 : i32
    %add3A_66 = arith.addi %mul3A_2, %add3A_65 : i32
    %dma_start3A_67 = arith.constant 0 : i32
    %dma_start3A_68 = arith.constant 0 : i32
    %dma_start3A_69 = arith.constant 0 : i32
    %dma_start3A_70 = tpu.memref_slice %arg8[%dma_start3A_67, %dma_start3A_68, %dma_start3A_69] : memref<3x128x128xf32, #tpu.memory_space<vmem>> -> memref<1x128x128xf32, #tpu.memory_space<vmem>>
    %dma_start3A_71 = tpu.memref_squeeze %dma_start3A_70 : memref<1x128x128xf32, #tpu.memory_space<vmem>> -> memref<128x128xf32, #tpu.memory_space<vmem>>
    %dma_start3A_72 = arith.constant 0 : i32
    %dma_start3A_73 = tpu.memref_slice %arg5[%add3A_66, %dma_start3A_72] : memref<16384x128xf32, #tpu.memory_space<hbm>> -> memref<128x128xf32, #tpu.memory_space<hbm>>
    %dma_start3A_74 = arith.constant 0 : i32
    %dma_start3A_75 = tpu.memref_slice %arg5[%add3A_66, %dma_start3A_74] : memref<16384x128xf32, #tpu.memory_space<hbm>> -> memref<128x128xf32, #tpu.memory_space<hbm>>
    %dma_start3A_76 = arith.constant 0 : i32
    %dma_start3A_77 = arith.constant 0 : i32
    %dma_start3A_78 = tpu.memref_slice %arg8[%dma_start3A_67, %dma_start3A_76, %dma_start3A_77] : memref<3x128x128xf32, #tpu.memory_space<vmem>> -> memref<1x128x128xf32, #tpu.memory_space<vmem>>
    %dma_start3A_79 = tpu.memref_squeeze %dma_start3A_78 : memref<1x128x128xf32, #tpu.memory_space<vmem>> -> memref<128x128xf32, #tpu.memory_space<vmem>>
    tpu.enqueue_dma source(%dma_start3A_79 : memref<128x128xf32, #tpu.memory_space<vmem>>) target(%dma_start3A_75 : memref<128x128xf32, #tpu.memory_space<hbm>>) target_semaphore(%arg14 : memref<!tpu.dma_semaphore, #tpu.memory_space<semaphore_mem>>)
    %dma_wait3A_80 = arith.constant 0 : i32
    %dma_wait3A_81 = arith.constant 0 : i32
    %dma_wait3A_82 = arith.constant 0 : i32
    %dma_wait3A_83 = tpu.memref_slice %arg8[%dma_wait3A_80, %dma_wait3A_81, %dma_wait3A_82] : memref<3x128x128xf32, #tpu.memory_space<vmem>> -> memref<1x128x128xf32, #tpu.memory_space<vmem>>
    %dma_wait3A_84 = tpu.memref_squeeze %dma_wait3A_83 : memref<1x128x128xf32, #tpu.memory_space<vmem>> -> memref<128x128xf32, #tpu.memory_space<vmem>>
    %dma_wait3A_85 = arith.constant 0 : i32
    %dma_wait3A_86 = tpu.memref_slice %arg5[%add3A_66, %dma_wait3A_85] : memref<16384x128xf32, #tpu.memory_space<hbm>> -> memref<128x128xf32, #tpu.memory_space<hbm>>
    %dma_wait3A_87 = arith.constant 0 : i32
    %dma_wait3A_88 = tpu.memref_slice %arg5[%add3A_66, %dma_wait3A_87] : memref<16384x128xf32, #tpu.memory_space<hbm>> -> memref<128x128xf32, #tpu.memory_space<hbm>>
    %dma_wait3A_89 = arith.constant 0 : i32
    %dma_wait3A_90 = arith.constant 0 : i32
    %dma_wait3A_91 = tpu.memref_slice %arg8[%dma_wait3A_80, %dma_wait3A_89, %dma_wait3A_90] : memref<3x128x128xf32, #tpu.memory_space<vmem>> -> memref<1x128x128xf32, #tpu.memory_space<vmem>>
    %dma_wait3A_92 = tpu.memref_squeeze %dma_wait3A_91 : memref<1x128x128xf32, #tpu.memory_space<vmem>> -> memref<128x128xf32, #tpu.memory_space<vmem>>
    tpu.wait_dma2 semaphore(%arg14 : memref<!tpu.dma_semaphore, #tpu.memory_space<semaphore_mem>>) src(%dma_wait3A_92 : memref<128x128xf32, #tpu.memory_space<vmem>>) dst(%dma_wait3A_88 : memref<128x128xf32, #tpu.memory_space<hbm>>)
    %dma_start3A_93 = arith.constant 0 : i32
    %dma_start3A_94 = arith.constant 0 : i32
    %dma_start3A_95 = arith.constant 0 : i32
    %dma_start3A_96 = tpu.memref_slice %arg8[%dma_start3A_93, %dma_start3A_94, %dma_start3A_95] : memref<3x128x128xf32, #tpu.memory_space<vmem>> -> memref<1x128x128xf32, #tpu.memory_space<vmem>>
    %dma_start3A_97 = tpu.memref_squeeze %dma_start3A_96 : memref<1x128x128xf32, #tpu.memory_space<vmem>> -> memref<128x128xf32, #tpu.memory_space<vmem>>
    %dma_start3A_98 = arith.constant 384 : i32
    %dma_start3A_99 = tpu.memref_slice %arg7[%dma_start3A_98] : memref<512xi32, #tpu.memory_space<vmem>> -> memref<128xi32, #tpu.memory_space<vmem>>
    %dma_start3A_100 = arith.constant 0 : i32
    %dma_start3A_101 = arith.constant 0 : i32
    %dma_start3A_102 = tpu.memref_slice %arg2[%dma_start3A_100, %dma_start3A_101] : memref<100000x128xf32, #tpu.memory_space<hbm>> -> memref<100000x128xf32, #tpu.memory_space<hbm>>
    tpu.enqueue_indirect_dma source(%dma_start3A_102 : memref<100000x128xf32, #tpu.memory_space<hbm>>) target(%dma_start3A_97 : memref<128x128xf32, #tpu.memory_space<vmem>>) offsets(%dma_start3A_99 : memref<128xi32, #tpu.memory_space<vmem>>) semaphore(%arg11 : memref<!tpu.dma_semaphore, #tpu.memory_space<semaphore_mem>>)
    %dma_wait3A_103 = arith.constant 1 : i32
    %dma_wait3A_104 = arith.constant 0 : i32
    %dma_wait3A_105 = arith.constant 0 : i32
    %dma_wait3A_106 = tpu.memref_slice %arg8[%dma_wait3A_103, %dma_wait3A_104, %dma_wait3A_105] : memref<3x128x128xf32, #tpu.memory_space<vmem>> -> memref<1x128x128xf32, #tpu.memory_space<vmem>>
    %dma_wait3A_107 = tpu.memref_squeeze %dma_wait3A_106 : memref<1x128x128xf32, #tpu.memory_space<vmem>> -> memref<128x128xf32, #tpu.memory_space<vmem>>
    %dma_wait3A_108 = arith.constant 128 : i32
    %dma_wait3A_109 = tpu.memref_slice %arg7[%dma_wait3A_108] : memref<512xi32, #tpu.memory_space<vmem>> -> memref<128xi32, #tpu.memory_space<vmem>>
    %dma_wait3A_110 = arith.constant 0 : i32
    %dma_wait3A_111 = arith.constant 0 : i32
    %dma_wait3A_112 = tpu.memref_slice %arg2[%dma_wait3A_110, %dma_wait3A_111] : memref<100000x128xf32, #tpu.memory_space<hbm>> -> memref<100000x128xf32, #tpu.memory_space<hbm>>
    tpu.wait_indirect_dma semaphore(%arg12 : memref<!tpu.dma_semaphore, #tpu.memory_space<semaphore_mem>>) src(%dma_wait3A_112 : memref<100000x128xf32, #tpu.memory_space<hbm>>) dst(%dma_wait3A_107 : memref<128x128xf32, #tpu.memory_space<vmem>>)
    %add3A_113 = arith.constant 128 : i32
    %add3A_114 = arith.addi %mul3A_2, %add3A_113 : i32
    %dma_start3A_115 = arith.constant 1 : i32
    %dma_start3A_116 = arith.constant 0 : i32
    %dma_start3A_117 = arith.constant 0 : i32
    %dma_start3A_118 = tpu.memref_slice %arg8[%dma_start3A_115, %dma_start3A_116, %dma_start3A_117] : memref<3x128x128xf32, #tpu.memory_space<vmem>> -> memref<1x128x128xf32, #tpu.memory_space<vmem>>
    %dma_start3A_119 = tpu.memref_squeeze %dma_start3A_118 : memref<1x128x128xf32, #tpu.memory_space<vmem>> -> memref<128x128xf32, #tpu.memory_space<vmem>>
    %dma_start3A_120 = arith.constant 0 : i32
    %dma_start3A_121 = tpu.memref_slice %arg5[%add3A_114, %dma_start3A_120] : memref<16384x128xf32, #tpu.memory_space<hbm>> -> memref<128x128xf32, #tpu.memory_space<hbm>>
    %dma_start3A_122 = arith.constant 0 : i32
    %dma_start3A_123 = tpu.memref_slice %arg5[%add3A_114, %dma_start3A_122] : memref<16384x128xf32, #tpu.memory_space<hbm>> -> memref<128x128xf32, #tpu.memory_space<hbm>>
    %dma_start3A_124 = arith.constant 0 : i32
    %dma_start3A_125 = arith.constant 0 : i32
    %dma_start3A_126 = tpu.memref_slice %arg8[%dma_start3A_115, %dma_start3A_124, %dma_start3A_125] : memref<3x128x128xf32, #tpu.memory_space<vmem>> -> memref<1x128x128xf32, #tpu.memory_space<vmem>>
    %dma_start3A_127 = tpu.memref_squeeze %dma_start3A_126 : memref<1x128x128xf32, #tpu.memory_space<vmem>> -> memref<128x128xf32, #tpu.memory_space<vmem>>
    tpu.enqueue_dma source(%dma_start3A_127 : memref<128x128xf32, #tpu.memory_space<vmem>>) target(%dma_start3A_123 : memref<128x128xf32, #tpu.memory_space<hbm>>) target_semaphore(%arg15 : memref<!tpu.dma_semaphore, #tpu.memory_space<semaphore_mem>>)
    %dma_wait3A_128 = arith.constant 2 : i32
    %dma_wait3A_129 = arith.constant 0 : i32
    %dma_wait3A_130 = arith.constant 0 : i32
    %dma_wait3A_131 = tpu.memref_slice %arg8[%dma_wait3A_128, %dma_wait3A_129, %dma_wait3A_130] : memref<3x128x128xf32, #tpu.memory_space<vmem>> -> memref<1x128x128xf32, #tpu.memory_space<vmem>>
    %dma_wait3A_132 = tpu.memref_squeeze %dma_wait3A_131 : memref<1x128x128xf32, #tpu.memory_space<vmem>> -> memref<128x128xf32, #tpu.memory_space<vmem>>
    %dma_wait3A_133 = arith.constant 256 : i32
    %dma_wait3A_134 = tpu.memref_slice %arg7[%dma_wait3A_133] : memref<512xi32, #tpu.memory_space<vmem>> -> memref<128xi32, #tpu.memory_space<vmem>>
    %dma_wait3A_135 = arith.constant 0 : i32
    %dma_wait3A_136 = arith.constant 0 : i32
    %dma_wait3A_137 = tpu.memref_slice %arg2[%dma_wait3A_135, %dma_wait3A_136] : memref<100000x128xf32, #tpu.memory_space<hbm>> -> memref<100000x128xf32, #tpu.memory_space<hbm>>
    tpu.wait_indirect_dma semaphore(%arg13 : memref<!tpu.dma_semaphore, #tpu.memory_space<semaphore_mem>>) src(%dma_wait3A_137 : memref<100000x128xf32, #tpu.memory_space<hbm>>) dst(%dma_wait3A_132 : memref<128x128xf32, #tpu.memory_space<vmem>>)
    %add3A_138 = arith.constant 256 : i32
    %add3A_139 = arith.addi %mul3A_2, %add3A_138 : i32
    %dma_start3A_140 = arith.constant 2 : i32
    %dma_start3A_141 = arith.constant 0 : i32
    %dma_start3A_142 = arith.constant 0 : i32
    %dma_start3A_143 = tpu.memref_slice %arg8[%dma_start3A_140, %dma_start3A_141, %dma_start3A_142] : memref<3x128x128xf32, #tpu.memory_space<vmem>> -> memref<1x128x128xf32, #tpu.memory_space<vmem>>
    %dma_start3A_144 = tpu.memref_squeeze %dma_start3A_143 : memref<1x128x128xf32, #tpu.memory_space<vmem>> -> memref<128x128xf32, #tpu.memory_space<vmem>>
    %dma_start3A_145 = arith.constant 0 : i32
    %dma_start3A_146 = tpu.memref_slice %arg5[%add3A_139, %dma_start3A_145] : memref<16384x128xf32, #tpu.memory_space<hbm>> -> memref<128x128xf32, #tpu.memory_space<hbm>>
    %dma_start3A_147 = arith.constant 0 : i32
    %dma_start3A_148 = tpu.memref_slice %arg5[%add3A_139, %dma_start3A_147] : memref<16384x128xf32, #tpu.memory_space<hbm>> -> memref<128x128xf32, #tpu.memory_space<hbm>>
    %dma_start3A_149 = arith.constant 0 : i32
    %dma_start3A_150 = arith.constant 0 : i32
    %dma_start3A_151 = tpu.memref_slice %arg8[%dma_start3A_140, %dma_start3A_149, %dma_start3A_150] : memref<3x128x128xf32, #tpu.memory_space<vmem>> -> memref<1x128x128xf32, #tpu.memory_space<vmem>>
    %dma_start3A_152 = tpu.memref_squeeze %dma_start3A_151 : memref<1x128x128xf32, #tpu.memory_space<vmem>> -> memref<128x128xf32, #tpu.memory_space<vmem>>
    tpu.enqueue_dma source(%dma_start3A_152 : memref<128x128xf32, #tpu.memory_space<vmem>>) target(%dma_start3A_148 : memref<128x128xf32, #tpu.memory_space<hbm>>) target_semaphore(%arg14 : memref<!tpu.dma_semaphore, #tpu.memory_space<semaphore_mem>>)
    %dma_wait3A_153 = arith.constant 0 : i32
    %dma_wait3A_154 = arith.constant 0 : i32
    %dma_wait3A_155 = arith.constant 0 : i32
    %dma_wait3A_156 = tpu.memref_slice %arg8[%dma_wait3A_153, %dma_wait3A_154, %dma_wait3A_155] : memref<3x128x128xf32, #tpu.memory_space<vmem>> -> memref<1x128x128xf32, #tpu.memory_space<vmem>>
    %dma_wait3A_157 = tpu.memref_squeeze %dma_wait3A_156 : memref<1x128x128xf32, #tpu.memory_space<vmem>> -> memref<128x128xf32, #tpu.memory_space<vmem>>
    %dma_wait3A_158 = arith.constant 384 : i32
    %dma_wait3A_159 = tpu.memref_slice %arg7[%dma_wait3A_158] : memref<512xi32, #tpu.memory_space<vmem>> -> memref<128xi32, #tpu.memory_space<vmem>>
    %dma_wait3A_160 = arith.constant 0 : i32
    %dma_wait3A_161 = arith.constant 0 : i32
    %dma_wait3A_162 = tpu.memref_slice %arg2[%dma_wait3A_160, %dma_wait3A_161] : memref<100000x128xf32, #tpu.memory_space<hbm>> -> memref<100000x128xf32, #tpu.memory_space<hbm>>
    tpu.wait_indirect_dma semaphore(%arg11 : memref<!tpu.dma_semaphore, #tpu.memory_space<semaphore_mem>>) src(%dma_wait3A_162 : memref<100000x128xf32, #tpu.memory_space<hbm>>) dst(%dma_wait3A_157 : memref<128x128xf32, #tpu.memory_space<vmem>>)
    %add3A_163 = arith.constant 384 : i32
    %add3A_164 = arith.addi %mul3A_2, %add3A_163 : i32
    %dma_start3A_165 = arith.constant 0 : i32
    %dma_start3A_166 = arith.constant 0 : i32
    %dma_start3A_167 = arith.constant 0 : i32
    %dma_start3A_168 = tpu.memref_slice %arg8[%dma_start3A_165, %dma_start3A_166, %dma_start3A_167] : memref<3x128x128xf32, #tpu.memory_space<vmem>> -> memref<1x128x128xf32, #tpu.memory_space<vmem>>
    %dma_start3A_169 = tpu.memref_squeeze %dma_start3A_168 : memref<1x128x128xf32, #tpu.memory_space<vmem>> -> memref<128x128xf32, #tpu.memory_space<vmem>>
    %dma_start3A_170 = arith.constant 0 : i32
    %dma_start3A_171 = tpu.memref_slice %arg5[%add3A_164, %dma_start3A_170] : memref<16384x128xf32, #tpu.memory_space<hbm>> -> memref<128x128xf32, #tpu.memory_space<hbm>>
    %dma_start3A_172 = arith.constant 0 : i32
    %dma_start3A_173 = tpu.memref_slice %arg5[%add3A_164, %dma_start3A_172] : memref<16384x128xf32, #tpu.memory_space<hbm>> -> memref<128x128xf32, #tpu.memory_space<hbm>>
    %dma_start3A_174 = arith.constant 0 : i32
    %dma_start3A_175 = arith.constant 0 : i32
    %dma_start3A_176 = tpu.memref_slice %arg8[%dma_start3A_165, %dma_start3A_174, %dma_start3A_175] : memref<3x128x128xf32, #tpu.memory_space<vmem>> -> memref<1x128x128xf32, #tpu.memory_space<vmem>>
    %dma_start3A_177 = tpu.memref_squeeze %dma_start3A_176 : memref<1x128x128xf32, #tpu.memory_space<vmem>> -> memref<128x128xf32, #tpu.memory_space<vmem>>
    tpu.enqueue_dma source(%dma_start3A_177 : memref<128x128xf32, #tpu.memory_space<vmem>>) target(%dma_start3A_173 : memref<128x128xf32, #tpu.memory_space<hbm>>) target_semaphore(%arg15 : memref<!tpu.dma_semaphore, #tpu.memory_space<semaphore_mem>>)
    %dma_wait3A_178 = arith.constant 1 : i32
    %dma_wait3A_179 = arith.constant 0 : i32
    %dma_wait3A_180 = arith.constant 0 : i32
    %dma_wait3A_181 = tpu.memref_slice %arg8[%dma_wait3A_178, %dma_wait3A_179, %dma_wait3A_180] : memref<3x128x128xf32, #tpu.memory_space<vmem>> -> memref<1x128x128xf32, #tpu.memory_space<vmem>>
    %dma_wait3A_182 = tpu.memref_squeeze %dma_wait3A_181 : memref<1x128x128xf32, #tpu.memory_space<vmem>> -> memref<128x128xf32, #tpu.memory_space<vmem>>
    %dma_wait3A_183 = arith.constant 0 : i32
    %dma_wait3A_184 = tpu.memref_slice %arg5[%add3A_114, %dma_wait3A_183] : memref<16384x128xf32, #tpu.memory_space<hbm>> -> memref<128x128xf32, #tpu.memory_space<hbm>>
    %dma_wait3A_185 = arith.constant 0 : i32
    %dma_wait3A_186 = tpu.memref_slice %arg5[%add3A_114, %dma_wait3A_185] : memref<16384x128xf32, #tpu.memory_space<hbm>> -> memref<128x128xf32, #tpu.memory_space<hbm>>
    %dma_wait3A_187 = arith.constant 0 : i32
    %dma_wait3A_188 = arith.constant 0 : i32
    %dma_wait3A_189 = tpu.memref_slice %arg8[%dma_wait3A_178, %dma_wait3A_187, %dma_wait3A_188] : memref<3x128x128xf32, #tpu.memory_space<vmem>> -> memref<1x128x128xf32, #tpu.memory_space<vmem>>
    %dma_wait3A_190 = tpu.memref_squeeze %dma_wait3A_189 : memref<1x128x128xf32, #tpu.memory_space<vmem>> -> memref<128x128xf32, #tpu.memory_space<vmem>>
    tpu.wait_dma2 semaphore(%arg15 : memref<!tpu.dma_semaphore, #tpu.memory_space<semaphore_mem>>) src(%dma_wait3A_190 : memref<128x128xf32, #tpu.memory_space<vmem>>) dst(%dma_wait3A_186 : memref<128x128xf32, #tpu.memory_space<hbm>>)
    %dma_wait3A_191 = arith.constant 2 : i32
    %dma_wait3A_192 = arith.constant 0 : i32
    %dma_wait3A_193 = arith.constant 0 : i32
    %dma_wait3A_194 = tpu.memref_slice %arg8[%dma_wait3A_191, %dma_wait3A_192, %dma_wait3A_193] : memref<3x128x128xf32, #tpu.memory_space<vmem>> -> memref<1x128x128xf32, #tpu.memory_space<vmem>>
    %dma_wait3A_195 = tpu.memref_squeeze %dma_wait3A_194 : memref<1x128x128xf32, #tpu.memory_space<vmem>> -> memref<128x128xf32, #tpu.memory_space<vmem>>
    %dma_wait3A_196 = arith.constant 0 : i32
    %dma_wait3A_197 = tpu.memref_slice %arg5[%add3A_139, %dma_wait3A_196] : memref<16384x128xf32, #tpu.memory_space<hbm>> -> memref<128x128xf32, #tpu.memory_space<hbm>>
    %dma_wait3A_198 = arith.constant 0 : i32
    %dma_wait3A_199 = tpu.memref_slice %arg5[%add3A_139, %dma_wait3A_198] : memref<16384x128xf32, #tpu.memory_space<hbm>> -> memref<128x128xf32, #tpu.memory_space<hbm>>
    %dma_wait3A_200 = arith.constant 0 : i32
    %dma_wait3A_201 = arith.constant 0 : i32
    %dma_wait3A_202 = tpu.memref_slice %arg8[%dma_wait3A_191, %dma_wait3A_200, %dma_wait3A_201] : memref<3x128x128xf32, #tpu.memory_space<vmem>> -> memref<1x128x128xf32, #tpu.memory_space<vmem>>
    %dma_wait3A_203 = tpu.memref_squeeze %dma_wait3A_202 : memref<1x128x128xf32, #tpu.memory_space<vmem>> -> memref<128x128xf32, #tpu.memory_space<vmem>>
    tpu.wait_dma2 semaphore(%arg14 : memref<!tpu.dma_semaphore, #tpu.memory_space<semaphore_mem>>) src(%dma_wait3A_203 : memref<128x128xf32, #tpu.memory_space<vmem>>) dst(%dma_wait3A_199 : memref<128x128xf32, #tpu.memory_space<hbm>>)
    %dma_wait3A_204 = arith.constant 0 : i32
    %dma_wait3A_205 = arith.constant 0 : i32
    %dma_wait3A_206 = arith.constant 0 : i32
    %dma_wait3A_207 = tpu.memref_slice %arg8[%dma_wait3A_204, %dma_wait3A_205, %dma_wait3A_206] : memref<3x128x128xf32, #tpu.memory_space<vmem>> -> memref<1x128x128xf32, #tpu.memory_space<vmem>>
    %dma_wait3A_208 = tpu.memref_squeeze %dma_wait3A_207 : memref<1x128x128xf32, #tpu.memory_space<vmem>> -> memref<128x128xf32, #tpu.memory_space<vmem>>
    %dma_wait3A_209 = arith.constant 0 : i32
    %dma_wait3A_210 = tpu.memref_slice %arg5[%add3A_164, %dma_wait3A_209] : memref<16384x128xf32, #tpu.memory_space<hbm>> -> memref<128x128xf32, #tpu.memory_space<hbm>>
    %dma_wait3A_211 = arith.constant 0 : i32
    %dma_wait3A_212 = tpu.memref_slice %arg5[%add3A_164, %dma_wait3A_211] : memref<16384x128xf32, #tpu.memory_space<hbm>> -> memref<128x128xf32, #tpu.memory_space<hbm>>
    %dma_wait3A_213 = arith.constant 0 : i32
    %dma_wait3A_214 = arith.constant 0 : i32
    %dma_wait3A_215 = tpu.memref_slice %arg8[%dma_wait3A_204, %dma_wait3A_213, %dma_wait3A_214] : memref<3x128x128xf32, #tpu.memory_space<vmem>> -> memref<1x128x128xf32, #tpu.memory_space<vmem>>
    %dma_wait3A_216 = tpu.memref_squeeze %dma_wait3A_215 : memref<1x128x128xf32, #tpu.memory_space<vmem>> -> memref<128x128xf32, #tpu.memory_space<vmem>>
    tpu.wait_dma2 semaphore(%arg15 : memref<!tpu.dma_semaphore, #tpu.memory_space<semaphore_mem>>) src(%dma_wait3A_216 : memref<128x128xf32, #tpu.memory_space<vmem>>) dst(%dma_wait3A_212 : memref<128x128xf32, #tpu.memory_space<hbm>>)
    %dma_wait3A_217 = arith.constant 0 : i32
    %dma_wait3A_218 = tpu.memref_slice %arg9[%dma_wait3A_217] : memref<512xf32, #tpu.memory_space<vmem>> -> memref<128xf32, #tpu.memory_space<vmem>>
    %dma_wait3A_219 = arith.constant 0 : i32
    %dma_wait3A_220 = tpu.memref_slice %arg7[%dma_wait3A_219] : memref<512xi32, #tpu.memory_space<vmem>> -> memref<128xi32, #tpu.memory_space<vmem>>
    %dma_wait3A_221 = arith.constant 0 : i32
    %dma_wait3A_222 = tpu.memref_slice %arg3[%dma_wait3A_221] : memref<100000xf32, #tpu.memory_space<hbm>> -> memref<100000xf32, #tpu.memory_space<hbm>>
    tpu.wait_indirect_dma semaphore(%arg10 : memref<!tpu.dma_semaphore, #tpu.memory_space<semaphore_mem>>) src(%dma_wait3A_222 : memref<100000xf32, #tpu.memory_space<hbm>>) dst(%dma_wait3A_218 : memref<128xf32, #tpu.memory_space<vmem>>)
    %dma_wait3A_223 = arith.constant 128 : i32
    %dma_wait3A_224 = tpu.memref_slice %arg9[%dma_wait3A_223] : memref<512xf32, #tpu.memory_space<vmem>> -> memref<128xf32, #tpu.memory_space<vmem>>
    %dma_wait3A_225 = arith.constant 128 : i32
    %dma_wait3A_226 = tpu.memref_slice %arg7[%dma_wait3A_225] : memref<512xi32, #tpu.memory_space<vmem>> -> memref<128xi32, #tpu.memory_space<vmem>>
    %dma_wait3A_227 = arith.constant 0 : i32
    %dma_wait3A_228 = tpu.memref_slice %arg3[%dma_wait3A_227] : memref<100000xf32, #tpu.memory_space<hbm>> -> memref<100000xf32, #tpu.memory_space<hbm>>
    tpu.wait_indirect_dma semaphore(%arg10 : memref<!tpu.dma_semaphore, #tpu.memory_space<semaphore_mem>>) src(%dma_wait3A_228 : memref<100000xf32, #tpu.memory_space<hbm>>) dst(%dma_wait3A_224 : memref<128xf32, #tpu.memory_space<vmem>>)
    %dma_wait3A_229 = arith.constant 256 : i32
    %dma_wait3A_230 = tpu.memref_slice %arg9[%dma_wait3A_229] : memref<512xf32, #tpu.memory_space<vmem>> -> memref<128xf32, #tpu.memory_space<vmem>>
    %dma_wait3A_231 = arith.constant 256 : i32
    %dma_wait3A_232 = tpu.memref_slice %arg7[%dma_wait3A_231] : memref<512xi32, #tpu.memory_space<vmem>> -> memref<128xi32, #tpu.memory_space<vmem>>
    %dma_wait3A_233 = arith.constant 0 : i32
    %dma_wait3A_234 = tpu.memref_slice %arg3[%dma_wait3A_233] : memref<100000xf32, #tpu.memory_space<hbm>> -> memref<100000xf32, #tpu.memory_space<hbm>>
    tpu.wait_indirect_dma semaphore(%arg10 : memref<!tpu.dma_semaphore, #tpu.memory_space<semaphore_mem>>) src(%dma_wait3A_234 : memref<100000xf32, #tpu.memory_space<hbm>>) dst(%dma_wait3A_230 : memref<128xf32, #tpu.memory_space<vmem>>)
    %dma_wait3A_235 = arith.constant 384 : i32
    %dma_wait3A_236 = tpu.memref_slice %arg9[%dma_wait3A_235] : memref<512xf32, #tpu.memory_space<vmem>> -> memref<128xf32, #tpu.memory_space<vmem>>
    %dma_wait3A_237 = arith.constant 384 : i32
    %dma_wait3A_238 = tpu.memref_slice %arg7[%dma_wait3A_237] : memref<512xi32, #tpu.memory_space<vmem>> -> memref<128xi32, #tpu.memory_space<vmem>>
    %dma_wait3A_239 = arith.constant 0 : i32
    %dma_wait3A_240 = tpu.memref_slice %arg3[%dma_wait3A_239] : memref<100000xf32, #tpu.memory_space<hbm>> -> memref<100000xf32, #tpu.memory_space<hbm>>
    tpu.wait_indirect_dma semaphore(%arg10 : memref<!tpu.dma_semaphore, #tpu.memory_space<semaphore_mem>>) src(%dma_wait3A_240 : memref<100000xf32, #tpu.memory_space<hbm>>) dst(%dma_wait3A_236 : memref<128xf32, #tpu.memory_space<vmem>>)
    "tpu.region"() ({
      %run_scoped3A = tpu.sem_alloc : memref<!tpu.dma_semaphore, #tpu.memory_space<semaphore_mem>>
      %dma_start3A_241 = tpu.memref_slice %arg6[%mul3A_2] : memref<16384xf32, #tpu.memory_space<hbm>> -> memref<512xf32, #tpu.memory_space<hbm>>
      %dma_start3A_242 = tpu.memref_slice %arg6[%mul3A_2] : memref<16384xf32, #tpu.memory_space<hbm>> -> memref<512xf32, #tpu.memory_space<hbm>>
      tpu.enqueue_dma source(%arg9 : memref<512xf32, #tpu.memory_space<vmem>>) target(%dma_start3A_242 : memref<512xf32, #tpu.memory_space<hbm>>) target_semaphore(%run_scoped3A : memref<!tpu.dma_semaphore, #tpu.memory_space<semaphore_mem>>)
      %dma_wait3A_243 = tpu.memref_slice %arg6[%mul3A_2] : memref<16384xf32, #tpu.memory_space<hbm>> -> memref<512xf32, #tpu.memory_space<hbm>>
      %dma_wait3A_244 = tpu.memref_slice %arg6[%mul3A_2] : memref<16384xf32, #tpu.memory_space<hbm>> -> memref<512xf32, #tpu.memory_space<hbm>>
      tpu.wait_dma2 semaphore(%run_scoped3A : memref<!tpu.dma_semaphore, #tpu.memory_space<semaphore_mem>>) src(%arg9 : memref<512xf32, #tpu.memory_space<vmem>>) dst(%dma_wait3A_244 : memref<512xf32, #tpu.memory_space<hbm>>)
      tpu.yield
    }) : () -> ()
    return
  }
}

#map = affine_map<(d0, d1) -> (0, 0)>
#map1 = affine_map<(d0, d1) -> (0)>
module attributes {stable_mosaic.version = 14 : i64} {
  func.func @k(%arg0: i32, %arg1: i32, %arg2: memref<100000x128xf32, #tpu.memory_space<hbm>>, %arg3: memref<100000xf32, #tpu.memory_space<hbm>>, %arg4: memref<16384xi32, #tpu.memory_space<hbm>>, %arg5: memref<16384x128xf32, #tpu.memory_space<hbm>>, %arg6: memref<16384xf32, #tpu.memory_space<hbm>>, %arg7: memref<512xi32, #tpu.memory_space<vmem>>, %arg8: memref<3x128x128xf32, #tpu.memory_space<vmem>>, %arg9: memref<512xf32, #tpu.memory_space<vmem>>, %arg10: memref<!tpu.dma_semaphore, #tpu.memory_space<semaphore_mem>>, %arg11: memref<!tpu.dma_semaphore, #tpu.memory_space<semaphore_mem>>, %arg12: memref<!tpu.dma_semaphore, #tpu.memory_space<semaphore_mem>>, %arg13: memref<!tpu.dma_semaphore, #tpu.memory_space<semaphore_mem>>, %arg14: memref<!tpu.dma_semaphore, #tpu.memory_space<semaphore_mem>>, %arg15: memref<!tpu.dma_semaphore, #tpu.memory_space<semaphore_mem>>) attributes {dimension_semantics = [#tpu.dimension_semantics<core_parallel>, #tpu.dimension_semantics<subcore_parallel>], iteration_bounds = array<i64: 2, 16>, scalar_prefetch = 0 : i64, scratch_operands = 9 : i64, tpu.core_type = #tpu.core_type<sc_vector_subcore>, window_params = [{transform_indices = #map}, {transform_indices = #map1}, {transform_indices = #map1}, {transform_indices = #map}, {transform_indices = #map1}]} {
    %mul3A = arith.constant 2 : i32
    %mul3A_0 = arith.muli %arg1, %mul3A : i32
    %add3A = arith.addi %mul3A_0, %arg0 : i32
    %mul3A_1 = arith.constant 512 : i32
    %mul3A_2 = arith.muli %add3A, %mul3A_1 : i32
    "tpu.region"() ({
      %run_scoped3A = tpu.sem_alloc : memref<!tpu.dma_semaphore, #tpu.memory_space<semaphore_mem>>
      %dma_start3A_241 = tpu.memref_slice %arg4[%mul3A_2] : memref<16384xi32, #tpu.memory_space<hbm>> -> memref<512xi32, #tpu.memory_space<hbm>>
      %dma_start3A_242 = tpu.memref_slice %arg4[%mul3A_2] : memref<16384xi32, #tpu.memory_space<hbm>> -> memref<512xi32, #tpu.memory_space<hbm>>
      tpu.enqueue_dma source(%dma_start3A_242 : memref<512xi32, #tpu.memory_space<hbm>>) target(%arg7 : memref<512xi32, #tpu.memory_space<vmem>>) target_semaphore(%run_scoped3A : memref<!tpu.dma_semaphore, #tpu.memory_space<semaphore_mem>>)
      %dma_wait3A_243 = tpu.memref_slice %arg4[%mul3A_2] : memref<16384xi32, #tpu.memory_space<hbm>> -> memref<512xi32, #tpu.memory_space<hbm>>
      %dma_wait3A_244 = tpu.memref_slice %arg4[%mul3A_2] : memref<16384xi32, #tpu.memory_space<hbm>> -> memref<512xi32, #tpu.memory_space<hbm>>
      tpu.wait_dma2 semaphore(%run_scoped3A : memref<!tpu.dma_semaphore, #tpu.memory_space<semaphore_mem>>) src(%dma_wait3A_244 : memref<512xi32, #tpu.memory_space<hbm>>) dst(%arg7 : memref<512xi32, #tpu.memory_space<vmem>>)
      tpu.yield
    }) : () -> ()
    %dma_start3A = arith.constant 0 : i32
    %dma_start3A_3 = tpu.memref_slice %arg9[%dma_start3A] : memref<512xf32, #tpu.memory_space<vmem>> -> memref<128xf32, #tpu.memory_space<vmem>>
    %dma_start3A_4 = arith.constant 0 : i32
    %dma_start3A_5 = tpu.memref_slice %arg7[%dma_start3A_4] : memref<512xi32, #tpu.memory_space<vmem>> -> memref<128xi32, #tpu.memory_space<vmem>>
    %dma_start3A_6 = arith.constant 0 : i32
    %dma_start3A_7 = tpu.memref_slice %arg3[%dma_start3A_6] : memref<100000xf32, #tpu.memory_space<hbm>> -> memref<100000xf32, #tpu.memory_space<hbm>>
    tpu.enqueue_indirect_dma source(%dma_start3A_7 : memref<100000xf32, #tpu.memory_space<hbm>>) target(%dma_start3A_3 : memref<128xf32, #tpu.memory_space<vmem>>) offsets(%dma_start3A_5 : memref<128xi32, #tpu.memory_space<vmem>>) semaphore(%arg10 : memref<!tpu.dma_semaphore, #tpu.memory_space<semaphore_mem>>)
    %dma_start3A_8 = arith.constant 128 : i32
    %dma_start3A_9 = tpu.memref_slice %arg9[%dma_start3A_8] : memref<512xf32, #tpu.memory_space<vmem>> -> memref<128xf32, #tpu.memory_space<vmem>>
    %dma_start3A_10 = arith.constant 128 : i32
    %dma_start3A_11 = tpu.memref_slice %arg7[%dma_start3A_10] : memref<512xi32, #tpu.memory_space<vmem>> -> memref<128xi32, #tpu.memory_space<vmem>>
    %dma_start3A_12 = arith.constant 0 : i32
    %dma_start3A_13 = tpu.memref_slice %arg3[%dma_start3A_12] : memref<100000xf32, #tpu.memory_space<hbm>> -> memref<100000xf32, #tpu.memory_space<hbm>>
    tpu.enqueue_indirect_dma source(%dma_start3A_13 : memref<100000xf32, #tpu.memory_space<hbm>>) target(%dma_start3A_9 : memref<128xf32, #tpu.memory_space<vmem>>) offsets(%dma_start3A_11 : memref<128xi32, #tpu.memory_space<vmem>>) semaphore(%arg10 : memref<!tpu.dma_semaphore, #tpu.memory_space<semaphore_mem>>)
    %dma_start3A_14 = arith.constant 256 : i32
    %dma_start3A_15 = tpu.memref_slice %arg9[%dma_start3A_14] : memref<512xf32, #tpu.memory_space<vmem>> -> memref<128xf32, #tpu.memory_space<vmem>>
    %dma_start3A_16 = arith.constant 256 : i32
    %dma_start3A_17 = tpu.memref_slice %arg7[%dma_start3A_16] : memref<512xi32, #tpu.memory_space<vmem>> -> memref<128xi32, #tpu.memory_space<vmem>>
    %dma_start3A_18 = arith.constant 0 : i32
    %dma_start3A_19 = tpu.memref_slice %arg3[%dma_start3A_18] : memref<100000xf32, #tpu.memory_space<hbm>> -> memref<100000xf32, #tpu.memory_space<hbm>>
    tpu.enqueue_indirect_dma source(%dma_start3A_19 : memref<100000xf32, #tpu.memory_space<hbm>>) target(%dma_start3A_15 : memref<128xf32, #tpu.memory_space<vmem>>) offsets(%dma_start3A_17 : memref<128xi32, #tpu.memory_space<vmem>>) semaphore(%arg10 : memref<!tpu.dma_semaphore, #tpu.memory_space<semaphore_mem>>)
    %dma_start3A_20 = arith.constant 384 : i32
    %dma_start3A_21 = tpu.memref_slice %arg9[%dma_start3A_20] : memref<512xf32, #tpu.memory_space<vmem>> -> memref<128xf32, #tpu.memory_space<vmem>>
    %dma_start3A_22 = arith.constant 384 : i32
    %dma_start3A_23 = tpu.memref_slice %arg7[%dma_start3A_22] : memref<512xi32, #tpu.memory_space<vmem>> -> memref<128xi32, #tpu.memory_space<vmem>>
    %dma_start3A_24 = arith.constant 0 : i32
    %dma_start3A_25 = tpu.memref_slice %arg3[%dma_start3A_24] : memref<100000xf32, #tpu.memory_space<hbm>> -> memref<100000xf32, #tpu.memory_space<hbm>>
    tpu.enqueue_indirect_dma source(%dma_start3A_25 : memref<100000xf32, #tpu.memory_space<hbm>>) target(%dma_start3A_21 : memref<128xf32, #tpu.memory_space<vmem>>) offsets(%dma_start3A_23 : memref<128xi32, #tpu.memory_space<vmem>>) semaphore(%arg10 : memref<!tpu.dma_semaphore, #tpu.memory_space<semaphore_mem>>)
    %dma_start3A_26 = arith.constant 0 : i32
    %dma_start3A_27 = arith.constant 0 : i32
    %dma_start3A_28 = arith.constant 0 : i32
    %dma_start3A_29 = tpu.memref_slice %arg8[%dma_start3A_26, %dma_start3A_27, %dma_start3A_28] : memref<3x128x128xf32, #tpu.memory_space<vmem>> -> memref<1x128x128xf32, #tpu.memory_space<vmem>>
    %dma_start3A_30 = tpu.memref_squeeze %dma_start3A_29 : memref<1x128x128xf32, #tpu.memory_space<vmem>> -> memref<128x128xf32, #tpu.memory_space<vmem>>
    %dma_start3A_31 = arith.constant 0 : i32
    %dma_start3A_32 = tpu.memref_slice %arg7[%dma_start3A_31] : memref<512xi32, #tpu.memory_space<vmem>> -> memref<128xi32, #tpu.memory_space<vmem>>
    %dma_start3A_33 = arith.constant 0 : i32
    %dma_start3A_34 = arith.constant 0 : i32
    %dma_start3A_35 = tpu.memref_slice %arg2[%dma_start3A_33, %dma_start3A_34] : memref<100000x128xf32, #tpu.memory_space<hbm>> -> memref<100000x128xf32, #tpu.memory_space<hbm>>
    tpu.enqueue_indirect_dma source(%dma_start3A_35 : memref<100000x128xf32, #tpu.memory_space<hbm>>) target(%dma_start3A_30 : memref<128x128xf32, #tpu.memory_space<vmem>>) offsets(%dma_start3A_32 : memref<128xi32, #tpu.memory_space<vmem>>) semaphore(%arg11 : memref<!tpu.dma_semaphore, #tpu.memory_space<semaphore_mem>>)
    %dma_start3A_36 = arith.constant 1 : i32
    %dma_start3A_37 = arith.constant 0 : i32
    %dma_start3A_38 = arith.constant 0 : i32
    %dma_start3A_39 = tpu.memref_slice %arg8[%dma_start3A_36, %dma_start3A_37, %dma_start3A_38] : memref<3x128x128xf32, #tpu.memory_space<vmem>> -> memref<1x128x128xf32, #tpu.memory_space<vmem>>
    %dma_start3A_40 = tpu.memref_squeeze %dma_start3A_39 : memref<1x128x128xf32, #tpu.memory_space<vmem>> -> memref<128x128xf32, #tpu.memory_space<vmem>>
    %dma_start3A_41 = arith.constant 128 : i32
    %dma_start3A_42 = tpu.memref_slice %arg7[%dma_start3A_41] : memref<512xi32, #tpu.memory_space<vmem>> -> memref<128xi32, #tpu.memory_space<vmem>>
    %dma_start3A_43 = arith.constant 0 : i32
    %dma_start3A_44 = arith.constant 0 : i32
    %dma_start3A_45 = tpu.memref_slice %arg2[%dma_start3A_43, %dma_start3A_44] : memref<100000x128xf32, #tpu.memory_space<hbm>> -> memref<100000x128xf32, #tpu.memory_space<hbm>>
    tpu.enqueue_indirect_dma source(%dma_start3A_45 : memref<100000x128xf32, #tpu.memory_space<hbm>>) target(%dma_start3A_40 : memref<128x128xf32, #tpu.memory_space<vmem>>) offsets(%dma_start3A_42 : memref<128xi32, #tpu.memory_space<vmem>>) semaphore(%arg12 : memref<!tpu.dma_semaphore, #tpu.memory_space<semaphore_mem>>)
    %dma_start3A_46 = arith.constant 2 : i32
    %dma_start3A_47 = arith.constant 0 : i32
    %dma_start3A_48 = arith.constant 0 : i32
    %dma_start3A_49 = tpu.memref_slice %arg8[%dma_start3A_46, %dma_start3A_47, %dma_start3A_48] : memref<3x128x128xf32, #tpu.memory_space<vmem>> -> memref<1x128x128xf32, #tpu.memory_space<vmem>>
    %dma_start3A_50 = tpu.memref_squeeze %dma_start3A_49 : memref<1x128x128xf32, #tpu.memory_space<vmem>> -> memref<128x128xf32, #tpu.memory_space<vmem>>
    %dma_start3A_51 = arith.constant 256 : i32
    %dma_start3A_52 = tpu.memref_slice %arg7[%dma_start3A_51] : memref<512xi32, #tpu.memory_space<vmem>> -> memref<128xi32, #tpu.memory_space<vmem>>
    %dma_start3A_53 = arith.constant 0 : i32
    %dma_start3A_54 = arith.constant 0 : i32
    %dma_start3A_55 = tpu.memref_slice %arg2[%dma_start3A_53, %dma_start3A_54] : memref<100000x128xf32, #tpu.memory_space<hbm>> -> memref<100000x128xf32, #tpu.memory_space<hbm>>
    tpu.enqueue_indirect_dma source(%dma_start3A_55 : memref<100000x128xf32, #tpu.memory_space<hbm>>) target(%dma_start3A_50 : memref<128x128xf32, #tpu.memory_space<vmem>>) offsets(%dma_start3A_52 : memref<128xi32, #tpu.memory_space<vmem>>) semaphore(%arg13 : memref<!tpu.dma_semaphore, #tpu.memory_space<semaphore_mem>>)
    %dma_wait3A = arith.constant 0 : i32
    %dma_wait3A_56 = arith.constant 0 : i32
    %dma_wait3A_57 = arith.constant 0 : i32
    %dma_wait3A_58 = tpu.memref_slice %arg8[%dma_wait3A, %dma_wait3A_56, %dma_wait3A_57] : memref<3x128x128xf32, #tpu.memory_space<vmem>> -> memref<1x128x128xf32, #tpu.memory_space<vmem>>
    %dma_wait3A_59 = tpu.memref_squeeze %dma_wait3A_58 : memref<1x128x128xf32, #tpu.memory_space<vmem>> -> memref<128x128xf32, #tpu.memory_space<vmem>>
    %dma_wait3A_60 = arith.constant 0 : i32
    %dma_wait3A_61 = tpu.memref_slice %arg7[%dma_wait3A_60] : memref<512xi32, #tpu.memory_space<vmem>> -> memref<128xi32, #tpu.memory_space<vmem>>
    %dma_wait3A_62 = arith.constant 0 : i32
    %dma_wait3A_63 = arith.constant 0 : i32
    %dma_wait3A_64 = tpu.memref_slice %arg2[%dma_wait3A_62, %dma_wait3A_63] : memref<100000x128xf32, #tpu.memory_space<hbm>> -> memref<100000x128xf32, #tpu.memory_space<hbm>>
    tpu.wait_indirect_dma semaphore(%arg11 : memref<!tpu.dma_semaphore, #tpu.memory_space<semaphore_mem>>) src(%dma_wait3A_64 : memref<100000x128xf32, #tpu.memory_space<hbm>>) dst(%dma_wait3A_59 : memref<128x128xf32, #tpu.memory_space<vmem>>)
    %add3A_65 = arith.constant 0 : i32
    %add3A_66 = arith.addi %mul3A_2, %add3A_65 : i32
    %dma_start3A_67 = arith.constant 0 : i32
    %dma_start3A_68 = arith.constant 0 : i32
    %dma_start3A_69 = arith.constant 0 : i32
    %dma_start3A_70 = tpu.memref_slice %arg8[%dma_start3A_67, %dma_start3A_68, %dma_start3A_69] : memref<3x128x128xf32, #tpu.memory_space<vmem>> -> memref<1x128x128xf32, #tpu.memory_space<vmem>>
    %dma_start3A_71 = tpu.memref_squeeze %dma_start3A_70 : memref<1x128x128xf32, #tpu.memory_space<vmem>> -> memref<128x128xf32, #tpu.memory_space<vmem>>
    %dma_start3A_72 = arith.constant 0 : i32
    %dma_start3A_73 = tpu.memref_slice %arg5[%add3A_66, %dma_start3A_72] : memref<16384x128xf32, #tpu.memory_space<hbm>> -> memref<128x128xf32, #tpu.memory_space<hbm>>
    %dma_start3A_74 = arith.constant 0 : i32
    %dma_start3A_75 = tpu.memref_slice %arg5[%add3A_66, %dma_start3A_74] : memref<16384x128xf32, #tpu.memory_space<hbm>> -> memref<128x128xf32, #tpu.memory_space<hbm>>
    %dma_start3A_76 = arith.constant 0 : i32
    %dma_start3A_77 = arith.constant 0 : i32
    %dma_start3A_78 = tpu.memref_slice %arg8[%dma_start3A_67, %dma_start3A_76, %dma_start3A_77] : memref<3x128x128xf32, #tpu.memory_space<vmem>> -> memref<1x128x128xf32, #tpu.memory_space<vmem>>
    %dma_start3A_79 = tpu.memref_squeeze %dma_start3A_78 : memref<1x128x128xf32, #tpu.memory_space<vmem>> -> memref<128x128xf32, #tpu.memory_space<vmem>>
    tpu.enqueue_dma source(%dma_start3A_79 : memref<128x128xf32, #tpu.memory_space<vmem>>) target(%dma_start3A_75 : memref<128x128xf32, #tpu.memory_space<hbm>>) target_semaphore(%arg14 : memref<!tpu.dma_semaphore, #tpu.memory_space<semaphore_mem>>)
    %dma_wait3A_80 = arith.constant 0 : i32
    %dma_wait3A_81 = arith.constant 0 : i32
    %dma_wait3A_82 = arith.constant 0 : i32
    %dma_wait3A_83 = tpu.memref_slice %arg8[%dma_wait3A_80, %dma_wait3A_81, %dma_wait3A_82] : memref<3x128x128xf32, #tpu.memory_space<vmem>> -> memref<1x128x128xf32, #tpu.memory_space<vmem>>
    %dma_wait3A_84 = tpu.memref_squeeze %dma_wait3A_83 : memref<1x128x128xf32, #tpu.memory_space<vmem>> -> memref<128x128xf32, #tpu.memory_space<vmem>>
    %dma_wait3A_85 = arith.constant 0 : i32
    %dma_wait3A_86 = tpu.memref_slice %arg5[%add3A_66, %dma_wait3A_85] : memref<16384x128xf32, #tpu.memory_space<hbm>> -> memref<128x128xf32, #tpu.memory_space<hbm>>
    %dma_wait3A_87 = arith.constant 0 : i32
    %dma_wait3A_88 = tpu.memref_slice %arg5[%add3A_66, %dma_wait3A_87] : memref<16384x128xf32, #tpu.memory_space<hbm>> -> memref<128x128xf32, #tpu.memory_space<hbm>>
    %dma_wait3A_89 = arith.constant 0 : i32
    %dma_wait3A_90 = arith.constant 0 : i32
    %dma_wait3A_91 = tpu.memref_slice %arg8[%dma_wait3A_80, %dma_wait3A_89, %dma_wait3A_90] : memref<3x128x128xf32, #tpu.memory_space<vmem>> -> memref<1x128x128xf32, #tpu.memory_space<vmem>>
    %dma_wait3A_92 = tpu.memref_squeeze %dma_wait3A_91 : memref<1x128x128xf32, #tpu.memory_space<vmem>> -> memref<128x128xf32, #tpu.memory_space<vmem>>
    tpu.wait_dma2 semaphore(%arg14 : memref<!tpu.dma_semaphore, #tpu.memory_space<semaphore_mem>>) src(%dma_wait3A_92 : memref<128x128xf32, #tpu.memory_space<vmem>>) dst(%dma_wait3A_88 : memref<128x128xf32, #tpu.memory_space<hbm>>)
    %dma_start3A_93 = arith.constant 0 : i32
    %dma_start3A_94 = arith.constant 0 : i32
    %dma_start3A_95 = arith.constant 0 : i32
    %dma_start3A_96 = tpu.memref_slice %arg8[%dma_start3A_93, %dma_start3A_94, %dma_start3A_95] : memref<3x128x128xf32, #tpu.memory_space<vmem>> -> memref<1x128x128xf32, #tpu.memory_space<vmem>>
    %dma_start3A_97 = tpu.memref_squeeze %dma_start3A_96 : memref<1x128x128xf32, #tpu.memory_space<vmem>> -> memref<128x128xf32, #tpu.memory_space<vmem>>
    %dma_start3A_98 = arith.constant 384 : i32
    %dma_start3A_99 = tpu.memref_slice %arg7[%dma_start3A_98] : memref<512xi32, #tpu.memory_space<vmem>> -> memref<128xi32, #tpu.memory_space<vmem>>
    %dma_start3A_100 = arith.constant 0 : i32
    %dma_start3A_101 = arith.constant 0 : i32
    %dma_start3A_102 = tpu.memref_slice %arg2[%dma_start3A_100, %dma_start3A_101] : memref<100000x128xf32, #tpu.memory_space<hbm>> -> memref<100000x128xf32, #tpu.memory_space<hbm>>
    tpu.enqueue_indirect_dma source(%dma_start3A_102 : memref<100000x128xf32, #tpu.memory_space<hbm>>) target(%dma_start3A_97 : memref<128x128xf32, #tpu.memory_space<vmem>>) offsets(%dma_start3A_99 : memref<128xi32, #tpu.memory_space<vmem>>) semaphore(%arg11 : memref<!tpu.dma_semaphore, #tpu.memory_space<semaphore_mem>>)
    %dma_wait3A_103 = arith.constant 1 : i32
    %dma_wait3A_104 = arith.constant 0 : i32
    %dma_wait3A_105 = arith.constant 0 : i32
    %dma_wait3A_106 = tpu.memref_slice %arg8[%dma_wait3A_103, %dma_wait3A_104, %dma_wait3A_105] : memref<3x128x128xf32, #tpu.memory_space<vmem>> -> memref<1x128x128xf32, #tpu.memory_space<vmem>>
    %dma_wait3A_107 = tpu.memref_squeeze %dma_wait3A_106 : memref<1x128x128xf32, #tpu.memory_space<vmem>> -> memref<128x128xf32, #tpu.memory_space<vmem>>
    %dma_wait3A_108 = arith.constant 128 : i32
    %dma_wait3A_109 = tpu.memref_slice %arg7[%dma_wait3A_108] : memref<512xi32, #tpu.memory_space<vmem>> -> memref<128xi32, #tpu.memory_space<vmem>>
    %dma_wait3A_110 = arith.constant 0 : i32
    %dma_wait3A_111 = arith.constant 0 : i32
    %dma_wait3A_112 = tpu.memref_slice %arg2[%dma_wait3A_110, %dma_wait3A_111] : memref<100000x128xf32, #tpu.memory_space<hbm>> -> memref<100000x128xf32, #tpu.memory_space<hbm>>
    tpu.wait_indirect_dma semaphore(%arg12 : memref<!tpu.dma_semaphore, #tpu.memory_space<semaphore_mem>>) src(%dma_wait3A_112 : memref<100000x128xf32, #tpu.memory_space<hbm>>) dst(%dma_wait3A_107 : memref<128x128xf32, #tpu.memory_space<vmem>>)
    %add3A_113 = arith.constant 128 : i32
    %add3A_114 = arith.addi %mul3A_2, %add3A_113 : i32
    %dma_start3A_115 = arith.constant 1 : i32
    %dma_start3A_116 = arith.constant 0 : i32
    %dma_start3A_117 = arith.constant 0 : i32
    %dma_start3A_118 = tpu.memref_slice %arg8[%dma_start3A_115, %dma_start3A_116, %dma_start3A_117] : memref<3x128x128xf32, #tpu.memory_space<vmem>> -> memref<1x128x128xf32, #tpu.memory_space<vmem>>
    %dma_start3A_119 = tpu.memref_squeeze %dma_start3A_118 : memref<1x128x128xf32, #tpu.memory_space<vmem>> -> memref<128x128xf32, #tpu.memory_space<vmem>>
    %dma_start3A_120 = arith.constant 0 : i32
    %dma_start3A_121 = tpu.memref_slice %arg5[%add3A_114, %dma_start3A_120] : memref<16384x128xf32, #tpu.memory_space<hbm>> -> memref<128x128xf32, #tpu.memory_space<hbm>>
    %dma_start3A_122 = arith.constant 0 : i32
    %dma_start3A_123 = tpu.memref_slice %arg5[%add3A_114, %dma_start3A_122] : memref<16384x128xf32, #tpu.memory_space<hbm>> -> memref<128x128xf32, #tpu.memory_space<hbm>>
    %dma_start3A_124 = arith.constant 0 : i32
    %dma_start3A_125 = arith.constant 0 : i32
    %dma_start3A_126 = tpu.memref_slice %arg8[%dma_start3A_115, %dma_start3A_124, %dma_start3A_125] : memref<3x128x128xf32, #tpu.memory_space<vmem>> -> memref<1x128x128xf32, #tpu.memory_space<vmem>>
    %dma_start3A_127 = tpu.memref_squeeze %dma_start3A_126 : memref<1x128x128xf32, #tpu.memory_space<vmem>> -> memref<128x128xf32, #tpu.memory_space<vmem>>
    tpu.enqueue_dma source(%dma_start3A_127 : memref<128x128xf32, #tpu.memory_space<vmem>>) target(%dma_start3A_123 : memref<128x128xf32, #tpu.memory_space<hbm>>) target_semaphore(%arg15 : memref<!tpu.dma_semaphore, #tpu.memory_space<semaphore_mem>>)
    %dma_wait3A_128 = arith.constant 2 : i32
    %dma_wait3A_129 = arith.constant 0 : i32
    %dma_wait3A_130 = arith.constant 0 : i32
    %dma_wait3A_131 = tpu.memref_slice %arg8[%dma_wait3A_128, %dma_wait3A_129, %dma_wait3A_130] : memref<3x128x128xf32, #tpu.memory_space<vmem>> -> memref<1x128x128xf32, #tpu.memory_space<vmem>>
    %dma_wait3A_132 = tpu.memref_squeeze %dma_wait3A_131 : memref<1x128x128xf32, #tpu.memory_space<vmem>> -> memref<128x128xf32, #tpu.memory_space<vmem>>
    %dma_wait3A_133 = arith.constant 256 : i32
    %dma_wait3A_134 = tpu.memref_slice %arg7[%dma_wait3A_133] : memref<512xi32, #tpu.memory_space<vmem>> -> memref<128xi32, #tpu.memory_space<vmem>>
    %dma_wait3A_135 = arith.constant 0 : i32
    %dma_wait3A_136 = arith.constant 0 : i32
    %dma_wait3A_137 = tpu.memref_slice %arg2[%dma_wait3A_135, %dma_wait3A_136] : memref<100000x128xf32, #tpu.memory_space<hbm>> -> memref<100000x128xf32, #tpu.memory_space<hbm>>
    tpu.wait_indirect_dma semaphore(%arg13 : memref<!tpu.dma_semaphore, #tpu.memory_space<semaphore_mem>>) src(%dma_wait3A_137 : memref<100000x128xf32, #tpu.memory_space<hbm>>) dst(%dma_wait3A_132 : memref<128x128xf32, #tpu.memory_space<vmem>>)
    %add3A_138 = arith.constant 256 : i32
    %add3A_139 = arith.addi %mul3A_2, %add3A_138 : i32
    %dma_start3A_140 = arith.constant 2 : i32
    %dma_start3A_141 = arith.constant 0 : i32
    %dma_start3A_142 = arith.constant 0 : i32
    %dma_start3A_143 = tpu.memref_slice %arg8[%dma_start3A_140, %dma_start3A_141, %dma_start3A_142] : memref<3x128x128xf32, #tpu.memory_space<vmem>> -> memref<1x128x128xf32, #tpu.memory_space<vmem>>
    %dma_start3A_144 = tpu.memref_squeeze %dma_start3A_143 : memref<1x128x128xf32, #tpu.memory_space<vmem>> -> memref<128x128xf32, #tpu.memory_space<vmem>>
    %dma_start3A_145 = arith.constant 0 : i32
    %dma_start3A_146 = tpu.memref_slice %arg5[%add3A_139, %dma_start3A_145] : memref<16384x128xf32, #tpu.memory_space<hbm>> -> memref<128x128xf32, #tpu.memory_space<hbm>>
    %dma_start3A_147 = arith.constant 0 : i32
    %dma_start3A_148 = tpu.memref_slice %arg5[%add3A_139, %dma_start3A_147] : memref<16384x128xf32, #tpu.memory_space<hbm>> -> memref<128x128xf32, #tpu.memory_space<hbm>>
    %dma_start3A_149 = arith.constant 0 : i32
    %dma_start3A_150 = arith.constant 0 : i32
    %dma_start3A_151 = tpu.memref_slice %arg8[%dma_start3A_140, %dma_start3A_149, %dma_start3A_150] : memref<3x128x128xf32, #tpu.memory_space<vmem>> -> memref<1x128x128xf32, #tpu.memory_space<vmem>>
    %dma_start3A_152 = tpu.memref_squeeze %dma_start3A_151 : memref<1x128x128xf32, #tpu.memory_space<vmem>> -> memref<128x128xf32, #tpu.memory_space<vmem>>
    tpu.enqueue_dma source(%dma_start3A_152 : memref<128x128xf32, #tpu.memory_space<vmem>>) target(%dma_start3A_148 : memref<128x128xf32, #tpu.memory_space<hbm>>) target_semaphore(%arg14 : memref<!tpu.dma_semaphore, #tpu.memory_space<semaphore_mem>>)
    %dma_wait3A_153 = arith.constant 0 : i32
    %dma_wait3A_154 = arith.constant 0 : i32
    %dma_wait3A_155 = arith.constant 0 : i32
    %dma_wait3A_156 = tpu.memref_slice %arg8[%dma_wait3A_153, %dma_wait3A_154, %dma_wait3A_155] : memref<3x128x128xf32, #tpu.memory_space<vmem>> -> memref<1x128x128xf32, #tpu.memory_space<vmem>>
    %dma_wait3A_157 = tpu.memref_squeeze %dma_wait3A_156 : memref<1x128x128xf32, #tpu.memory_space<vmem>> -> memref<128x128xf32, #tpu.memory_space<vmem>>
    %dma_wait3A_158 = arith.constant 384 : i32
    %dma_wait3A_159 = tpu.memref_slice %arg7[%dma_wait3A_158] : memref<512xi32, #tpu.memory_space<vmem>> -> memref<128xi32, #tpu.memory_space<vmem>>
    %dma_wait3A_160 = arith.constant 0 : i32
    %dma_wait3A_161 = arith.constant 0 : i32
    %dma_wait3A_162 = tpu.memref_slice %arg2[%dma_wait3A_160, %dma_wait3A_161] : memref<100000x128xf32, #tpu.memory_space<hbm>> -> memref<100000x128xf32, #tpu.memory_space<hbm>>
    tpu.wait_indirect_dma semaphore(%arg11 : memref<!tpu.dma_semaphore, #tpu.memory_space<semaphore_mem>>) src(%dma_wait3A_162 : memref<100000x128xf32, #tpu.memory_space<hbm>>) dst(%dma_wait3A_157 : memref<128x128xf32, #tpu.memory_space<vmem>>)
    %add3A_163 = arith.constant 384 : i32
    %add3A_164 = arith.addi %mul3A_2, %add3A_163 : i32
    %dma_start3A_165 = arith.constant 0 : i32
    %dma_start3A_166 = arith.constant 0 : i32
    %dma_start3A_167 = arith.constant 0 : i32
    %dma_start3A_168 = tpu.memref_slice %arg8[%dma_start3A_165, %dma_start3A_166, %dma_start3A_167] : memref<3x128x128xf32, #tpu.memory_space<vmem>> -> memref<1x128x128xf32, #tpu.memory_space<vmem>>
    %dma_start3A_169 = tpu.memref_squeeze %dma_start3A_168 : memref<1x128x128xf32, #tpu.memory_space<vmem>> -> memref<128x128xf32, #tpu.memory_space<vmem>>
    %dma_start3A_170 = arith.constant 0 : i32
    %dma_start3A_171 = tpu.memref_slice %arg5[%add3A_164, %dma_start3A_170] : memref<16384x128xf32, #tpu.memory_space<hbm>> -> memref<128x128xf32, #tpu.memory_space<hbm>>
    %dma_start3A_172 = arith.constant 0 : i32
    %dma_start3A_173 = tpu.memref_slice %arg5[%add3A_164, %dma_start3A_172] : memref<16384x128xf32, #tpu.memory_space<hbm>> -> memref<128x128xf32, #tpu.memory_space<hbm>>
    %dma_start3A_174 = arith.constant 0 : i32
    %dma_start3A_175 = arith.constant 0 : i32
    %dma_start3A_176 = tpu.memref_slice %arg8[%dma_start3A_165, %dma_start3A_174, %dma_start3A_175] : memref<3x128x128xf32, #tpu.memory_space<vmem>> -> memref<1x128x128xf32, #tpu.memory_space<vmem>>
    %dma_start3A_177 = tpu.memref_squeeze %dma_start3A_176 : memref<1x128x128xf32, #tpu.memory_space<vmem>> -> memref<128x128xf32, #tpu.memory_space<vmem>>
    tpu.enqueue_dma source(%dma_start3A_177 : memref<128x128xf32, #tpu.memory_space<vmem>>) target(%dma_start3A_173 : memref<128x128xf32, #tpu.memory_space<hbm>>) target_semaphore(%arg15 : memref<!tpu.dma_semaphore, #tpu.memory_space<semaphore_mem>>)
    %dma_wait3A_178 = arith.constant 1 : i32
    %dma_wait3A_179 = arith.constant 0 : i32
    %dma_wait3A_180 = arith.constant 0 : i32
    %dma_wait3A_181 = tpu.memref_slice %arg8[%dma_wait3A_178, %dma_wait3A_179, %dma_wait3A_180] : memref<3x128x128xf32, #tpu.memory_space<vmem>> -> memref<1x128x128xf32, #tpu.memory_space<vmem>>
    %dma_wait3A_182 = tpu.memref_squeeze %dma_wait3A_181 : memref<1x128x128xf32, #tpu.memory_space<vmem>> -> memref<128x128xf32, #tpu.memory_space<vmem>>
    %dma_wait3A_183 = arith.constant 0 : i32
    %dma_wait3A_184 = tpu.memref_slice %arg5[%add3A_114, %dma_wait3A_183] : memref<16384x128xf32, #tpu.memory_space<hbm>> -> memref<128x128xf32, #tpu.memory_space<hbm>>
    %dma_wait3A_185 = arith.constant 0 : i32
    %dma_wait3A_186 = tpu.memref_slice %arg5[%add3A_114, %dma_wait3A_185] : memref<16384x128xf32, #tpu.memory_space<hbm>> -> memref<128x128xf32, #tpu.memory_space<hbm>>
    %dma_wait3A_187 = arith.constant 0 : i32
    %dma_wait3A_188 = arith.constant 0 : i32
    %dma_wait3A_189 = tpu.memref_slice %arg8[%dma_wait3A_178, %dma_wait3A_187, %dma_wait3A_188] : memref<3x128x128xf32, #tpu.memory_space<vmem>> -> memref<1x128x128xf32, #tpu.memory_space<vmem>>
    %dma_wait3A_190 = tpu.memref_squeeze %dma_wait3A_189 : memref<1x128x128xf32, #tpu.memory_space<vmem>> -> memref<128x128xf32, #tpu.memory_space<vmem>>
    tpu.wait_dma2 semaphore(%arg15 : memref<!tpu.dma_semaphore, #tpu.memory_space<semaphore_mem>>) src(%dma_wait3A_190 : memref<128x128xf32, #tpu.memory_space<vmem>>) dst(%dma_wait3A_186 : memref<128x128xf32, #tpu.memory_space<hbm>>)
    %dma_wait3A_191 = arith.constant 2 : i32
    %dma_wait3A_192 = arith.constant 0 : i32
    %dma_wait3A_193 = arith.constant 0 : i32
    %dma_wait3A_194 = tpu.memref_slice %arg8[%dma_wait3A_191, %dma_wait3A_192, %dma_wait3A_193] : memref<3x128x128xf32, #tpu.memory_space<vmem>> -> memref<1x128x128xf32, #tpu.memory_space<vmem>>
    %dma_wait3A_195 = tpu.memref_squeeze %dma_wait3A_194 : memref<1x128x128xf32, #tpu.memory_space<vmem>> -> memref<128x128xf32, #tpu.memory_space<vmem>>
    %dma_wait3A_196 = arith.constant 0 : i32
    %dma_wait3A_197 = tpu.memref_slice %arg5[%add3A_139, %dma_wait3A_196] : memref<16384x128xf32, #tpu.memory_space<hbm>> -> memref<128x128xf32, #tpu.memory_space<hbm>>
    %dma_wait3A_198 = arith.constant 0 : i32
    %dma_wait3A_199 = tpu.memref_slice %arg5[%add3A_139, %dma_wait3A_198] : memref<16384x128xf32, #tpu.memory_space<hbm>> -> memref<128x128xf32, #tpu.memory_space<hbm>>
    %dma_wait3A_200 = arith.constant 0 : i32
    %dma_wait3A_201 = arith.constant 0 : i32
    %dma_wait3A_202 = tpu.memref_slice %arg8[%dma_wait3A_191, %dma_wait3A_200, %dma_wait3A_201] : memref<3x128x128xf32, #tpu.memory_space<vmem>> -> memref<1x128x128xf32, #tpu.memory_space<vmem>>
    %dma_wait3A_203 = tpu.memref_squeeze %dma_wait3A_202 : memref<1x128x128xf32, #tpu.memory_space<vmem>> -> memref<128x128xf32, #tpu.memory_space<vmem>>
    tpu.wait_dma2 semaphore(%arg14 : memref<!tpu.dma_semaphore, #tpu.memory_space<semaphore_mem>>) src(%dma_wait3A_203 : memref<128x128xf32, #tpu.memory_space<vmem>>) dst(%dma_wait3A_199 : memref<128x128xf32, #tpu.memory_space<hbm>>)
    %dma_wait3A_204 = arith.constant 0 : i32
    %dma_wait3A_205 = arith.constant 0 : i32
    %dma_wait3A_206 = arith.constant 0 : i32
    %dma_wait3A_207 = tpu.memref_slice %arg8[%dma_wait3A_204, %dma_wait3A_205, %dma_wait3A_206] : memref<3x128x128xf32, #tpu.memory_space<vmem>> -> memref<1x128x128xf32, #tpu.memory_space<vmem>>
    %dma_wait3A_208 = tpu.memref_squeeze %dma_wait3A_207 : memref<1x128x128xf32, #tpu.memory_space<vmem>> -> memref<128x128xf32, #tpu.memory_space<vmem>>
    %dma_wait3A_209 = arith.constant 0 : i32
    %dma_wait3A_210 = tpu.memref_slice %arg5[%add3A_164, %dma_wait3A_209] : memref<16384x128xf32, #tpu.memory_space<hbm>> -> memref<128x128xf32, #tpu.memory_space<hbm>>
    %dma_wait3A_211 = arith.constant 0 : i32
    %dma_wait3A_212 = tpu.memref_slice %arg5[%add3A_164, %dma_wait3A_211] : memref<16384x128xf32, #tpu.memory_space<hbm>> -> memref<128x128xf32, #tpu.memory_space<hbm>>
    %dma_wait3A_213 = arith.constant 0 : i32
    %dma_wait3A_214 = arith.constant 0 : i32
    %dma_wait3A_215 = tpu.memref_slice %arg8[%dma_wait3A_204, %dma_wait3A_213, %dma_wait3A_214] : memref<3x128x128xf32, #tpu.memory_space<vmem>> -> memref<1x128x128xf32, #tpu.memory_space<vmem>>
    %dma_wait3A_216 = tpu.memref_squeeze %dma_wait3A_215 : memref<1x128x128xf32, #tpu.memory_space<vmem>> -> memref<128x128xf32, #tpu.memory_space<vmem>>
    tpu.wait_dma2 semaphore(%arg15 : memref<!tpu.dma_semaphore, #tpu.memory_space<semaphore_mem>>) src(%dma_wait3A_216 : memref<128x128xf32, #tpu.memory_space<vmem>>) dst(%dma_wait3A_212 : memref<128x128xf32, #tpu.memory_space<hbm>>)
    %dma_wait3A_217 = arith.constant 0 : i32
    %dma_wait3A_218 = tpu.memref_slice %arg9[%dma_wait3A_217] : memref<512xf32, #tpu.memory_space<vmem>> -> memref<128xf32, #tpu.memory_space<vmem>>
    %dma_wait3A_219 = arith.constant 0 : i32
    %dma_wait3A_220 = tpu.memref_slice %arg7[%dma_wait3A_219] : memref<512xi32, #tpu.memory_space<vmem>> -> memref<128xi32, #tpu.memory_space<vmem>>
    %dma_wait3A_221 = arith.constant 0 : i32
    %dma_wait3A_222 = tpu.memref_slice %arg3[%dma_wait3A_221] : memref<100000xf32, #tpu.memory_space<hbm>> -> memref<100000xf32, #tpu.memory_space<hbm>>
    tpu.wait_indirect_dma semaphore(%arg10 : memref<!tpu.dma_semaphore, #tpu.memory_space<semaphore_mem>>) src(%dma_wait3A_222 : memref<100000xf32, #tpu.memory_space<hbm>>) dst(%dma_wait3A_218 : memref<128xf32, #tpu.memory_space<vmem>>)
    %dma_wait3A_223 = arith.constant 128 : i32
    %dma_wait3A_224 = tpu.memref_slice %arg9[%dma_wait3A_223] : memref<512xf32, #tpu.memory_space<vmem>> -> memref<128xf32, #tpu.memory_space<vmem>>
    %dma_wait3A_225 = arith.constant 128 : i32
    %dma_wait3A_226 = tpu.memref_slice %arg7[%dma_wait3A_225] : memref<512xi32, #tpu.memory_space<vmem>> -> memref<128xi32, #tpu.memory_space<vmem>>
    %dma_wait3A_227 = arith.constant 0 : i32
    %dma_wait3A_228 = tpu.memref_slice %arg3[%dma_wait3A_227] : memref<100000xf32, #tpu.memory_space<hbm>> -> memref<100000xf32, #tpu.memory_space<hbm>>
    tpu.wait_indirect_dma semaphore(%arg10 : memref<!tpu.dma_semaphore, #tpu.memory_space<semaphore_mem>>) src(%dma_wait3A_228 : memref<100000xf32, #tpu.memory_space<hbm>>) dst(%dma_wait3A_224 : memref<128xf32, #tpu.memory_space<vmem>>)
    %dma_wait3A_229 = arith.constant 256 : i32
    %dma_wait3A_230 = tpu.memref_slice %arg9[%dma_wait3A_229] : memref<512xf32, #tpu.memory_space<vmem>> -> memref<128xf32, #tpu.memory_space<vmem>>
    %dma_wait3A_231 = arith.constant 256 : i32
    %dma_wait3A_232 = tpu.memref_slice %arg7[%dma_wait3A_231] : memref<512xi32, #tpu.memory_space<vmem>> -> memref<128xi32, #tpu.memory_space<vmem>>
    %dma_wait3A_233 = arith.constant 0 : i32
    %dma_wait3A_234 = tpu.memref_slice %arg3[%dma_wait3A_233] : memref<100000xf32, #tpu.memory_space<hbm>> -> memref<100000xf32, #tpu.memory_space<hbm>>
    tpu.wait_indirect_dma semaphore(%arg10 : memref<!tpu.dma_semaphore, #tpu.memory_space<semaphore_mem>>) src(%dma_wait3A_234 : memref<100000xf32, #tpu.memory_space<hbm>>) dst(%dma_wait3A_230 : memref<128xf32, #tpu.memory_space<vmem>>)
    %dma_wait3A_235 = arith.constant 384 : i32
    %dma_wait3A_236 = tpu.memref_slice %arg9[%dma_wait3A_235] : memref<512xf32, #tpu.memory_space<vmem>> -> memref<128xf32, #tpu.memory_space<vmem>>
    %dma_wait3A_237 = arith.constant 384 : i32
    %dma_wait3A_238 = tpu.memref_slice %arg7[%dma_wait3A_237] : memref<512xi32, #tpu.memory_space<vmem>> -> memref<128xi32, #tpu.memory_space<vmem>>
    %dma_wait3A_239 = arith.constant 0 : i32
    %dma_wait3A_240 = tpu.memref_slice %arg3[%dma_wait3A_239] : memref<100000xf32, #tpu.memory_space<hbm>> -> memref<100000xf32, #tpu.memory_space<hbm>>
    tpu.wait_indirect_dma semaphore(%arg10 : memref<!tpu.dma_semaphore, #tpu.memory_space<semaphore_mem>>) src(%dma_wait3A_240 : memref<100000xf32, #tpu.memory_space<hbm>>) dst(%dma_wait3A_236 : memref<128xf32, #tpu.memory_space<vmem>>)
    "tpu.region"() ({
      %run_scoped3A = tpu.sem_alloc : memref<!tpu.dma_semaphore, #tpu.memory_space<semaphore_mem>>
      %dma_start3A_241 = tpu.memref_slice %arg6[%mul3A_2] : memref<16384xf32, #tpu.memory_space<hbm>> -> memref<512xf32, #tpu.memory_space<hbm>>
      %dma_start3A_242 = tpu.memref_slice %arg6[%mul3A_2] : memref<16384xf32, #tpu.memory_space<hbm>> -> memref<512xf32, #tpu.memory_space<hbm>>
      tpu.enqueue_dma source(%arg9 : memref<512xf32, #tpu.memory_space<vmem>>) target(%dma_start3A_242 : memref<512xf32, #tpu.memory_space<hbm>>) target_semaphore(%run_scoped3A : memref<!tpu.dma_semaphore, #tpu.memory_space<semaphore_mem>>)
      %dma_wait3A_243 = tpu.memref_slice %arg6[%mul3A_2] : memref<16384xf32, #tpu.memory_space<hbm>> -> memref<512xf32, #tpu.memory_space<hbm>>
      %dma_wait3A_244 = tpu.memref_slice %arg6[%mul3A_2] : memref<16384xf32, #tpu.memory_space<hbm>> -> memref<512xf32, #tpu.memory_space<hbm>>
      tpu.wait_dma2 semaphore(%run_scoped3A : memref<!tpu.dma_semaphore, #tpu.memory_space<semaphore_mem>>) src(%arg9 : memref<512xf32, #tpu.memory_space<vmem>>) dst(%dma_wait3A_244 : memref<512xf32, #tpu.memory_space<hbm>>)
      tpu.yield
    }) : () -> ()
    return
  }
}

#map = affine_map<(d0, d1) -> (0, 0)>
#map1 = affine_map<(d0, d1) -> (0)>
module attributes {stable_mosaic.version = 14 : i64} {
  func.func @k(%arg0: i32, %arg1: i32, %arg2: memref<100000x128xf32, #tpu.memory_space<hbm>>, %arg3: memref<100000xf32, #tpu.memory_space<hbm>>, %arg4: memref<16384xi32, #tpu.memory_space<hbm>>, %arg5: memref<16384x128xf32, #tpu.memory_space<hbm>>, %arg6: memref<16384xf32, #tpu.memory_space<hbm>>, %arg7: memref<512xi32, #tpu.memory_space<vmem>>, %arg8: memref<3x128x128xf32, #tpu.memory_space<vmem>>, %arg9: memref<512xf32, #tpu.memory_space<vmem>>, %arg10: memref<!tpu.dma_semaphore, #tpu.memory_space<semaphore_mem>>, %arg11: memref<!tpu.dma_semaphore, #tpu.memory_space<semaphore_mem>>, %arg12: memref<!tpu.dma_semaphore, #tpu.memory_space<semaphore_mem>>, %arg13: memref<!tpu.dma_semaphore, #tpu.memory_space<semaphore_mem>>, %arg14: memref<!tpu.dma_semaphore, #tpu.memory_space<semaphore_mem>>, %arg15: memref<!tpu.dma_semaphore, #tpu.memory_space<semaphore_mem>>) attributes {dimension_semantics = [#tpu.dimension_semantics<core_parallel>, #tpu.dimension_semantics<subcore_parallel>], iteration_bounds = array<i64: 2, 16>, scalar_prefetch = 0 : i64, scratch_operands = 9 : i64, tpu.core_type = #tpu.core_type<sc_vector_subcore>, window_params = [{transform_indices = #map}, {transform_indices = #map1}, {transform_indices = #map1}, {transform_indices = #map}, {transform_indices = #map1}]} {
    %mul3A = arith.constant 2 : i32
    %mul3A_0 = arith.muli %arg1, %mul3A : i32
    %add3A = arith.addi %mul3A_0, %arg0 : i32
    %mul3A_1 = arith.constant 512 : i32
    %mul3A_2 = arith.muli %add3A, %mul3A_1 : i32
    "tpu.region"() ({
      %run_scoped3A = tpu.sem_alloc : memref<!tpu.dma_semaphore, #tpu.memory_space<semaphore_mem>>
      %dma_start3A_241 = tpu.memref_slice %arg4[%mul3A_2] : memref<16384xi32, #tpu.memory_space<hbm>> -> memref<512xi32, #tpu.memory_space<hbm>>
      %dma_start3A_242 = tpu.memref_slice %arg4[%mul3A_2] : memref<16384xi32, #tpu.memory_space<hbm>> -> memref<512xi32, #tpu.memory_space<hbm>>
      tpu.enqueue_dma source(%dma_start3A_242 : memref<512xi32, #tpu.memory_space<hbm>>) target(%arg7 : memref<512xi32, #tpu.memory_space<vmem>>) target_semaphore(%run_scoped3A : memref<!tpu.dma_semaphore, #tpu.memory_space<semaphore_mem>>)
      %dma_wait3A_243 = tpu.memref_slice %arg4[%mul3A_2] : memref<16384xi32, #tpu.memory_space<hbm>> -> memref<512xi32, #tpu.memory_space<hbm>>
      %dma_wait3A_244 = tpu.memref_slice %arg4[%mul3A_2] : memref<16384xi32, #tpu.memory_space<hbm>> -> memref<512xi32, #tpu.memory_space<hbm>>
      tpu.wait_dma2 semaphore(%run_scoped3A : memref<!tpu.dma_semaphore, #tpu.memory_space<semaphore_mem>>) src(%dma_wait3A_244 : memref<512xi32, #tpu.memory_space<hbm>>) dst(%arg7 : memref<512xi32, #tpu.memory_space<vmem>>)
      tpu.yield
    }) : () -> ()
    %dma_start3A = arith.constant 0 : i32
    %dma_start3A_3 = tpu.memref_slice %arg9[%dma_start3A] : memref<512xf32, #tpu.memory_space<vmem>> -> memref<128xf32, #tpu.memory_space<vmem>>
    %dma_start3A_4 = arith.constant 0 : i32
    %dma_start3A_5 = tpu.memref_slice %arg7[%dma_start3A_4] : memref<512xi32, #tpu.memory_space<vmem>> -> memref<128xi32, #tpu.memory_space<vmem>>
    %dma_start3A_6 = arith.constant 0 : i32
    %dma_start3A_7 = tpu.memref_slice %arg3[%dma_start3A_6] : memref<100000xf32, #tpu.memory_space<hbm>> -> memref<100000xf32, #tpu.memory_space<hbm>>
    tpu.enqueue_indirect_dma source(%dma_start3A_7 : memref<100000xf32, #tpu.memory_space<hbm>>) target(%dma_start3A_3 : memref<128xf32, #tpu.memory_space<vmem>>) offsets(%dma_start3A_5 : memref<128xi32, #tpu.memory_space<vmem>>) semaphore(%arg10 : memref<!tpu.dma_semaphore, #tpu.memory_space<semaphore_mem>>)
    %dma_start3A_8 = arith.constant 128 : i32
    %dma_start3A_9 = tpu.memref_slice %arg9[%dma_start3A_8] : memref<512xf32, #tpu.memory_space<vmem>> -> memref<128xf32, #tpu.memory_space<vmem>>
    %dma_start3A_10 = arith.constant 128 : i32
    %dma_start3A_11 = tpu.memref_slice %arg7[%dma_start3A_10] : memref<512xi32, #tpu.memory_space<vmem>> -> memref<128xi32, #tpu.memory_space<vmem>>
    %dma_start3A_12 = arith.constant 0 : i32
    %dma_start3A_13 = tpu.memref_slice %arg3[%dma_start3A_12] : memref<100000xf32, #tpu.memory_space<hbm>> -> memref<100000xf32, #tpu.memory_space<hbm>>
    tpu.enqueue_indirect_dma source(%dma_start3A_13 : memref<100000xf32, #tpu.memory_space<hbm>>) target(%dma_start3A_9 : memref<128xf32, #tpu.memory_space<vmem>>) offsets(%dma_start3A_11 : memref<128xi32, #tpu.memory_space<vmem>>) semaphore(%arg10 : memref<!tpu.dma_semaphore, #tpu.memory_space<semaphore_mem>>)
    %dma_start3A_14 = arith.constant 256 : i32
    %dma_start3A_15 = tpu.memref_slice %arg9[%dma_start3A_14] : memref<512xf32, #tpu.memory_space<vmem>> -> memref<128xf32, #tpu.memory_space<vmem>>
    %dma_start3A_16 = arith.constant 256 : i32
    %dma_start3A_17 = tpu.memref_slice %arg7[%dma_start3A_16] : memref<512xi32, #tpu.memory_space<vmem>> -> memref<128xi32, #tpu.memory_space<vmem>>
    %dma_start3A_18 = arith.constant 0 : i32
    %dma_start3A_19 = tpu.memref_slice %arg3[%dma_start3A_18] : memref<100000xf32, #tpu.memory_space<hbm>> -> memref<100000xf32, #tpu.memory_space<hbm>>
    tpu.enqueue_indirect_dma source(%dma_start3A_19 : memref<100000xf32, #tpu.memory_space<hbm>>) target(%dma_start3A_15 : memref<128xf32, #tpu.memory_space<vmem>>) offsets(%dma_start3A_17 : memref<128xi32, #tpu.memory_space<vmem>>) semaphore(%arg10 : memref<!tpu.dma_semaphore, #tpu.memory_space<semaphore_mem>>)
    %dma_start3A_20 = arith.constant 384 : i32
    %dma_start3A_21 = tpu.memref_slice %arg9[%dma_start3A_20] : memref<512xf32, #tpu.memory_space<vmem>> -> memref<128xf32, #tpu.memory_space<vmem>>
    %dma_start3A_22 = arith.constant 384 : i32
    %dma_start3A_23 = tpu.memref_slice %arg7[%dma_start3A_22] : memref<512xi32, #tpu.memory_space<vmem>> -> memref<128xi32, #tpu.memory_space<vmem>>
    %dma_start3A_24 = arith.constant 0 : i32
    %dma_start3A_25 = tpu.memref_slice %arg3[%dma_start3A_24] : memref<100000xf32, #tpu.memory_space<hbm>> -> memref<100000xf32, #tpu.memory_space<hbm>>
    tpu.enqueue_indirect_dma source(%dma_start3A_25 : memref<100000xf32, #tpu.memory_space<hbm>>) target(%dma_start3A_21 : memref<128xf32, #tpu.memory_space<vmem>>) offsets(%dma_start3A_23 : memref<128xi32, #tpu.memory_space<vmem>>) semaphore(%arg10 : memref<!tpu.dma_semaphore, #tpu.memory_space<semaphore_mem>>)
    %dma_start3A_26 = arith.constant 0 : i32
    %dma_start3A_27 = arith.constant 0 : i32
    %dma_start3A_28 = arith.constant 0 : i32
    %dma_start3A_29 = tpu.memref_slice %arg8[%dma_start3A_26, %dma_start3A_27, %dma_start3A_28] : memref<3x128x128xf32, #tpu.memory_space<vmem>> -> memref<1x128x128xf32, #tpu.memory_space<vmem>>
    %dma_start3A_30 = tpu.memref_squeeze %dma_start3A_29 : memref<1x128x128xf32, #tpu.memory_space<vmem>> -> memref<128x128xf32, #tpu.memory_space<vmem>>
    %dma_start3A_31 = arith.constant 0 : i32
    %dma_start3A_32 = tpu.memref_slice %arg7[%dma_start3A_31] : memref<512xi32, #tpu.memory_space<vmem>> -> memref<128xi32, #tpu.memory_space<vmem>>
    %dma_start3A_33 = arith.constant 0 : i32
    %dma_start3A_34 = arith.constant 0 : i32
    %dma_start3A_35 = tpu.memref_slice %arg2[%dma_start3A_33, %dma_start3A_34] : memref<100000x128xf32, #tpu.memory_space<hbm>> -> memref<100000x128xf32, #tpu.memory_space<hbm>>
    tpu.enqueue_indirect_dma source(%dma_start3A_35 : memref<100000x128xf32, #tpu.memory_space<hbm>>) target(%dma_start3A_30 : memref<128x128xf32, #tpu.memory_space<vmem>>) offsets(%dma_start3A_32 : memref<128xi32, #tpu.memory_space<vmem>>) semaphore(%arg11 : memref<!tpu.dma_semaphore, #tpu.memory_space<semaphore_mem>>)
    %dma_start3A_36 = arith.constant 1 : i32
    %dma_start3A_37 = arith.constant 0 : i32
    %dma_start3A_38 = arith.constant 0 : i32
    %dma_start3A_39 = tpu.memref_slice %arg8[%dma_start3A_36, %dma_start3A_37, %dma_start3A_38] : memref<3x128x128xf32, #tpu.memory_space<vmem>> -> memref<1x128x128xf32, #tpu.memory_space<vmem>>
    %dma_start3A_40 = tpu.memref_squeeze %dma_start3A_39 : memref<1x128x128xf32, #tpu.memory_space<vmem>> -> memref<128x128xf32, #tpu.memory_space<vmem>>
    %dma_start3A_41 = arith.constant 128 : i32
    %dma_start3A_42 = tpu.memref_slice %arg7[%dma_start3A_41] : memref<512xi32, #tpu.memory_space<vmem>> -> memref<128xi32, #tpu.memory_space<vmem>>
    %dma_start3A_43 = arith.constant 0 : i32
    %dma_start3A_44 = arith.constant 0 : i32
    %dma_start3A_45 = tpu.memref_slice %arg2[%dma_start3A_43, %dma_start3A_44] : memref<100000x128xf32, #tpu.memory_space<hbm>> -> memref<100000x128xf32, #tpu.memory_space<hbm>>
    tpu.enqueue_indirect_dma source(%dma_start3A_45 : memref<100000x128xf32, #tpu.memory_space<hbm>>) target(%dma_start3A_40 : memref<128x128xf32, #tpu.memory_space<vmem>>) offsets(%dma_start3A_42 : memref<128xi32, #tpu.memory_space<vmem>>) semaphore(%arg12 : memref<!tpu.dma_semaphore, #tpu.memory_space<semaphore_mem>>)
    %dma_start3A_46 = arith.constant 2 : i32
    %dma_start3A_47 = arith.constant 0 : i32
    %dma_start3A_48 = arith.constant 0 : i32
    %dma_start3A_49 = tpu.memref_slice %arg8[%dma_start3A_46, %dma_start3A_47, %dma_start3A_48] : memref<3x128x128xf32, #tpu.memory_space<vmem>> -> memref<1x128x128xf32, #tpu.memory_space<vmem>>
    %dma_start3A_50 = tpu.memref_squeeze %dma_start3A_49 : memref<1x128x128xf32, #tpu.memory_space<vmem>> -> memref<128x128xf32, #tpu.memory_space<vmem>>
    %dma_start3A_51 = arith.constant 256 : i32
    %dma_start3A_52 = tpu.memref_slice %arg7[%dma_start3A_51] : memref<512xi32, #tpu.memory_space<vmem>> -> memref<128xi32, #tpu.memory_space<vmem>>
    %dma_start3A_53 = arith.constant 0 : i32
    %dma_start3A_54 = arith.constant 0 : i32
    %dma_start3A_55 = tpu.memref_slice %arg2[%dma_start3A_53, %dma_start3A_54] : memref<100000x128xf32, #tpu.memory_space<hbm>> -> memref<100000x128xf32, #tpu.memory_space<hbm>>
    tpu.enqueue_indirect_dma source(%dma_start3A_55 : memref<100000x128xf32, #tpu.memory_space<hbm>>) target(%dma_start3A_50 : memref<128x128xf32, #tpu.memory_space<vmem>>) offsets(%dma_start3A_52 : memref<128xi32, #tpu.memory_space<vmem>>) semaphore(%arg13 : memref<!tpu.dma_semaphore, #tpu.memory_space<semaphore_mem>>)
    %dma_wait3A = arith.constant 0 : i32
    %dma_wait3A_56 = arith.constant 0 : i32
    %dma_wait3A_57 = arith.constant 0 : i32
    %dma_wait3A_58 = tpu.memref_slice %arg8[%dma_wait3A, %dma_wait3A_56, %dma_wait3A_57] : memref<3x128x128xf32, #tpu.memory_space<vmem>> -> memref<1x128x128xf32, #tpu.memory_space<vmem>>
    %dma_wait3A_59 = tpu.memref_squeeze %dma_wait3A_58 : memref<1x128x128xf32, #tpu.memory_space<vmem>> -> memref<128x128xf32, #tpu.memory_space<vmem>>
    %dma_wait3A_60 = arith.constant 0 : i32
    %dma_wait3A_61 = tpu.memref_slice %arg7[%dma_wait3A_60] : memref<512xi32, #tpu.memory_space<vmem>> -> memref<128xi32, #tpu.memory_space<vmem>>
    %dma_wait3A_62 = arith.constant 0 : i32
    %dma_wait3A_63 = arith.constant 0 : i32
    %dma_wait3A_64 = tpu.memref_slice %arg2[%dma_wait3A_62, %dma_wait3A_63] : memref<100000x128xf32, #tpu.memory_space<hbm>> -> memref<100000x128xf32, #tpu.memory_space<hbm>>
    tpu.wait_indirect_dma semaphore(%arg11 : memref<!tpu.dma_semaphore, #tpu.memory_space<semaphore_mem>>) src(%dma_wait3A_64 : memref<100000x128xf32, #tpu.memory_space<hbm>>) dst(%dma_wait3A_59 : memref<128x128xf32, #tpu.memory_space<vmem>>)
    %add3A_65 = arith.constant 0 : i32
    %add3A_66 = arith.addi %mul3A_2, %add3A_65 : i32
    %dma_start3A_67 = arith.constant 0 : i32
    %dma_start3A_68 = arith.constant 0 : i32
    %dma_start3A_69 = arith.constant 0 : i32
    %dma_start3A_70 = tpu.memref_slice %arg8[%dma_start3A_67, %dma_start3A_68, %dma_start3A_69] : memref<3x128x128xf32, #tpu.memory_space<vmem>> -> memref<1x128x128xf32, #tpu.memory_space<vmem>>
    %dma_start3A_71 = tpu.memref_squeeze %dma_start3A_70 : memref<1x128x128xf32, #tpu.memory_space<vmem>> -> memref<128x128xf32, #tpu.memory_space<vmem>>
    %dma_start3A_72 = arith.constant 0 : i32
    %dma_start3A_73 = tpu.memref_slice %arg5[%add3A_66, %dma_start3A_72] : memref<16384x128xf32, #tpu.memory_space<hbm>> -> memref<128x128xf32, #tpu.memory_space<hbm>>
    %dma_start3A_74 = arith.constant 0 : i32
    %dma_start3A_75 = tpu.memref_slice %arg5[%add3A_66, %dma_start3A_74] : memref<16384x128xf32, #tpu.memory_space<hbm>> -> memref<128x128xf32, #tpu.memory_space<hbm>>
    %dma_start3A_76 = arith.constant 0 : i32
    %dma_start3A_77 = arith.constant 0 : i32
    %dma_start3A_78 = tpu.memref_slice %arg8[%dma_start3A_67, %dma_start3A_76, %dma_start3A_77] : memref<3x128x128xf32, #tpu.memory_space<vmem>> -> memref<1x128x128xf32, #tpu.memory_space<vmem>>
    %dma_start3A_79 = tpu.memref_squeeze %dma_start3A_78 : memref<1x128x128xf32, #tpu.memory_space<vmem>> -> memref<128x128xf32, #tpu.memory_space<vmem>>
    tpu.enqueue_dma source(%dma_start3A_79 : memref<128x128xf32, #tpu.memory_space<vmem>>) target(%dma_start3A_75 : memref<128x128xf32, #tpu.memory_space<hbm>>) target_semaphore(%arg14 : memref<!tpu.dma_semaphore, #tpu.memory_space<semaphore_mem>>)
    %dma_wait3A_80 = arith.constant 0 : i32
    %dma_wait3A_81 = arith.constant 0 : i32
    %dma_wait3A_82 = arith.constant 0 : i32
    %dma_wait3A_83 = tpu.memref_slice %arg8[%dma_wait3A_80, %dma_wait3A_81, %dma_wait3A_82] : memref<3x128x128xf32, #tpu.memory_space<vmem>> -> memref<1x128x128xf32, #tpu.memory_space<vmem>>
    %dma_wait3A_84 = tpu.memref_squeeze %dma_wait3A_83 : memref<1x128x128xf32, #tpu.memory_space<vmem>> -> memref<128x128xf32, #tpu.memory_space<vmem>>
    %dma_wait3A_85 = arith.constant 0 : i32
    %dma_wait3A_86 = tpu.memref_slice %arg5[%add3A_66, %dma_wait3A_85] : memref<16384x128xf32, #tpu.memory_space<hbm>> -> memref<128x128xf32, #tpu.memory_space<hbm>>
    %dma_wait3A_87 = arith.constant 0 : i32
    %dma_wait3A_88 = tpu.memref_slice %arg5[%add3A_66, %dma_wait3A_87] : memref<16384x128xf32, #tpu.memory_space<hbm>> -> memref<128x128xf32, #tpu.memory_space<hbm>>
    %dma_wait3A_89 = arith.constant 0 : i32
    %dma_wait3A_90 = arith.constant 0 : i32
    %dma_wait3A_91 = tpu.memref_slice %arg8[%dma_wait3A_80, %dma_wait3A_89, %dma_wait3A_90] : memref<3x128x128xf32, #tpu.memory_space<vmem>> -> memref<1x128x128xf32, #tpu.memory_space<vmem>>
    %dma_wait3A_92 = tpu.memref_squeeze %dma_wait3A_91 : memref<1x128x128xf32, #tpu.memory_space<vmem>> -> memref<128x128xf32, #tpu.memory_space<vmem>>
    tpu.wait_dma2 semaphore(%arg14 : memref<!tpu.dma_semaphore, #tpu.memory_space<semaphore_mem>>) src(%dma_wait3A_92 : memref<128x128xf32, #tpu.memory_space<vmem>>) dst(%dma_wait3A_88 : memref<128x128xf32, #tpu.memory_space<hbm>>)
    %dma_start3A_93 = arith.constant 0 : i32
    %dma_start3A_94 = arith.constant 0 : i32
    %dma_start3A_95 = arith.constant 0 : i32
    %dma_start3A_96 = tpu.memref_slice %arg8[%dma_start3A_93, %dma_start3A_94, %dma_start3A_95] : memref<3x128x128xf32, #tpu.memory_space<vmem>> -> memref<1x128x128xf32, #tpu.memory_space<vmem>>
    %dma_start3A_97 = tpu.memref_squeeze %dma_start3A_96 : memref<1x128x128xf32, #tpu.memory_space<vmem>> -> memref<128x128xf32, #tpu.memory_space<vmem>>
    %dma_start3A_98 = arith.constant 384 : i32
    %dma_start3A_99 = tpu.memref_slice %arg7[%dma_start3A_98] : memref<512xi32, #tpu.memory_space<vmem>> -> memref<128xi32, #tpu.memory_space<vmem>>
    %dma_start3A_100 = arith.constant 0 : i32
    %dma_start3A_101 = arith.constant 0 : i32
    %dma_start3A_102 = tpu.memref_slice %arg2[%dma_start3A_100, %dma_start3A_101] : memref<100000x128xf32, #tpu.memory_space<hbm>> -> memref<100000x128xf32, #tpu.memory_space<hbm>>
    tpu.enqueue_indirect_dma source(%dma_start3A_102 : memref<100000x128xf32, #tpu.memory_space<hbm>>) target(%dma_start3A_97 : memref<128x128xf32, #tpu.memory_space<vmem>>) offsets(%dma_start3A_99 : memref<128xi32, #tpu.memory_space<vmem>>) semaphore(%arg11 : memref<!tpu.dma_semaphore, #tpu.memory_space<semaphore_mem>>)
    %dma_wait3A_103 = arith.constant 1 : i32
    %dma_wait3A_104 = arith.constant 0 : i32
    %dma_wait3A_105 = arith.constant 0 : i32
    %dma_wait3A_106 = tpu.memref_slice %arg8[%dma_wait3A_103, %dma_wait3A_104, %dma_wait3A_105] : memref<3x128x128xf32, #tpu.memory_space<vmem>> -> memref<1x128x128xf32, #tpu.memory_space<vmem>>
    %dma_wait3A_107 = tpu.memref_squeeze %dma_wait3A_106 : memref<1x128x128xf32, #tpu.memory_space<vmem>> -> memref<128x128xf32, #tpu.memory_space<vmem>>
    %dma_wait3A_108 = arith.constant 128 : i32
    %dma_wait3A_109 = tpu.memref_slice %arg7[%dma_wait3A_108] : memref<512xi32, #tpu.memory_space<vmem>> -> memref<128xi32, #tpu.memory_space<vmem>>
    %dma_wait3A_110 = arith.constant 0 : i32
    %dma_wait3A_111 = arith.constant 0 : i32
    %dma_wait3A_112 = tpu.memref_slice %arg2[%dma_wait3A_110, %dma_wait3A_111] : memref<100000x128xf32, #tpu.memory_space<hbm>> -> memref<100000x128xf32, #tpu.memory_space<hbm>>
    tpu.wait_indirect_dma semaphore(%arg12 : memref<!tpu.dma_semaphore, #tpu.memory_space<semaphore_mem>>) src(%dma_wait3A_112 : memref<100000x128xf32, #tpu.memory_space<hbm>>) dst(%dma_wait3A_107 : memref<128x128xf32, #tpu.memory_space<vmem>>)
    %add3A_113 = arith.constant 128 : i32
    %add3A_114 = arith.addi %mul3A_2, %add3A_113 : i32
    %dma_start3A_115 = arith.constant 1 : i32
    %dma_start3A_116 = arith.constant 0 : i32
    %dma_start3A_117 = arith.constant 0 : i32
    %dma_start3A_118 = tpu.memref_slice %arg8[%dma_start3A_115, %dma_start3A_116, %dma_start3A_117] : memref<3x128x128xf32, #tpu.memory_space<vmem>> -> memref<1x128x128xf32, #tpu.memory_space<vmem>>
    %dma_start3A_119 = tpu.memref_squeeze %dma_start3A_118 : memref<1x128x128xf32, #tpu.memory_space<vmem>> -> memref<128x128xf32, #tpu.memory_space<vmem>>
    %dma_start3A_120 = arith.constant 0 : i32
    %dma_start3A_121 = tpu.memref_slice %arg5[%add3A_114, %dma_start3A_120] : memref<16384x128xf32, #tpu.memory_space<hbm>> -> memref<128x128xf32, #tpu.memory_space<hbm>>
    %dma_start3A_122 = arith.constant 0 : i32
    %dma_start3A_123 = tpu.memref_slice %arg5[%add3A_114, %dma_start3A_122] : memref<16384x128xf32, #tpu.memory_space<hbm>> -> memref<128x128xf32, #tpu.memory_space<hbm>>
    %dma_start3A_124 = arith.constant 0 : i32
    %dma_start3A_125 = arith.constant 0 : i32
    %dma_start3A_126 = tpu.memref_slice %arg8[%dma_start3A_115, %dma_start3A_124, %dma_start3A_125] : memref<3x128x128xf32, #tpu.memory_space<vmem>> -> memref<1x128x128xf32, #tpu.memory_space<vmem>>
    %dma_start3A_127 = tpu.memref_squeeze %dma_start3A_126 : memref<1x128x128xf32, #tpu.memory_space<vmem>> -> memref<128x128xf32, #tpu.memory_space<vmem>>
    tpu.enqueue_dma source(%dma_start3A_127 : memref<128x128xf32, #tpu.memory_space<vmem>>) target(%dma_start3A_123 : memref<128x128xf32, #tpu.memory_space<hbm>>) target_semaphore(%arg15 : memref<!tpu.dma_semaphore, #tpu.memory_space<semaphore_mem>>)
    %dma_wait3A_128 = arith.constant 2 : i32
    %dma_wait3A_129 = arith.constant 0 : i32
    %dma_wait3A_130 = arith.constant 0 : i32
    %dma_wait3A_131 = tpu.memref_slice %arg8[%dma_wait3A_128, %dma_wait3A_129, %dma_wait3A_130] : memref<3x128x128xf32, #tpu.memory_space<vmem>> -> memref<1x128x128xf32, #tpu.memory_space<vmem>>
    %dma_wait3A_132 = tpu.memref_squeeze %dma_wait3A_131 : memref<1x128x128xf32, #tpu.memory_space<vmem>> -> memref<128x128xf32, #tpu.memory_space<vmem>>
    %dma_wait3A_133 = arith.constant 256 : i32
    %dma_wait3A_134 = tpu.memref_slice %arg7[%dma_wait3A_133] : memref<512xi32, #tpu.memory_space<vmem>> -> memref<128xi32, #tpu.memory_space<vmem>>
    %dma_wait3A_135 = arith.constant 0 : i32
    %dma_wait3A_136 = arith.constant 0 : i32
    %dma_wait3A_137 = tpu.memref_slice %arg2[%dma_wait3A_135, %dma_wait3A_136] : memref<100000x128xf32, #tpu.memory_space<hbm>> -> memref<100000x128xf32, #tpu.memory_space<hbm>>
    tpu.wait_indirect_dma semaphore(%arg13 : memref<!tpu.dma_semaphore, #tpu.memory_space<semaphore_mem>>) src(%dma_wait3A_137 : memref<100000x128xf32, #tpu.memory_space<hbm>>) dst(%dma_wait3A_132 : memref<128x128xf32, #tpu.memory_space<vmem>>)
    %add3A_138 = arith.constant 256 : i32
    %add3A_139 = arith.addi %mul3A_2, %add3A_138 : i32
    %dma_start3A_140 = arith.constant 2 : i32
    %dma_start3A_141 = arith.constant 0 : i32
    %dma_start3A_142 = arith.constant 0 : i32
    %dma_start3A_143 = tpu.memref_slice %arg8[%dma_start3A_140, %dma_start3A_141, %dma_start3A_142] : memref<3x128x128xf32, #tpu.memory_space<vmem>> -> memref<1x128x128xf32, #tpu.memory_space<vmem>>
    %dma_start3A_144 = tpu.memref_squeeze %dma_start3A_143 : memref<1x128x128xf32, #tpu.memory_space<vmem>> -> memref<128x128xf32, #tpu.memory_space<vmem>>
    %dma_start3A_145 = arith.constant 0 : i32
    %dma_start3A_146 = tpu.memref_slice %arg5[%add3A_139, %dma_start3A_145] : memref<16384x128xf32, #tpu.memory_space<hbm>> -> memref<128x128xf32, #tpu.memory_space<hbm>>
    %dma_start3A_147 = arith.constant 0 : i32
    %dma_start3A_148 = tpu.memref_slice %arg5[%add3A_139, %dma_start3A_147] : memref<16384x128xf32, #tpu.memory_space<hbm>> -> memref<128x128xf32, #tpu.memory_space<hbm>>
    %dma_start3A_149 = arith.constant 0 : i32
    %dma_start3A_150 = arith.constant 0 : i32
    %dma_start3A_151 = tpu.memref_slice %arg8[%dma_start3A_140, %dma_start3A_149, %dma_start3A_150] : memref<3x128x128xf32, #tpu.memory_space<vmem>> -> memref<1x128x128xf32, #tpu.memory_space<vmem>>
    %dma_start3A_152 = tpu.memref_squeeze %dma_start3A_151 : memref<1x128x128xf32, #tpu.memory_space<vmem>> -> memref<128x128xf32, #tpu.memory_space<vmem>>
    tpu.enqueue_dma source(%dma_start3A_152 : memref<128x128xf32, #tpu.memory_space<vmem>>) target(%dma_start3A_148 : memref<128x128xf32, #tpu.memory_space<hbm>>) target_semaphore(%arg14 : memref<!tpu.dma_semaphore, #tpu.memory_space<semaphore_mem>>)
    %dma_wait3A_153 = arith.constant 0 : i32
    %dma_wait3A_154 = arith.constant 0 : i32
    %dma_wait3A_155 = arith.constant 0 : i32
    %dma_wait3A_156 = tpu.memref_slice %arg8[%dma_wait3A_153, %dma_wait3A_154, %dma_wait3A_155] : memref<3x128x128xf32, #tpu.memory_space<vmem>> -> memref<1x128x128xf32, #tpu.memory_space<vmem>>
    %dma_wait3A_157 = tpu.memref_squeeze %dma_wait3A_156 : memref<1x128x128xf32, #tpu.memory_space<vmem>> -> memref<128x128xf32, #tpu.memory_space<vmem>>
    %dma_wait3A_158 = arith.constant 384 : i32
    %dma_wait3A_159 = tpu.memref_slice %arg7[%dma_wait3A_158] : memref<512xi32, #tpu.memory_space<vmem>> -> memref<128xi32, #tpu.memory_space<vmem>>
    %dma_wait3A_160 = arith.constant 0 : i32
    %dma_wait3A_161 = arith.constant 0 : i32
    %dma_wait3A_162 = tpu.memref_slice %arg2[%dma_wait3A_160, %dma_wait3A_161] : memref<100000x128xf32, #tpu.memory_space<hbm>> -> memref<100000x128xf32, #tpu.memory_space<hbm>>
    tpu.wait_indirect_dma semaphore(%arg11 : memref<!tpu.dma_semaphore, #tpu.memory_space<semaphore_mem>>) src(%dma_wait3A_162 : memref<100000x128xf32, #tpu.memory_space<hbm>>) dst(%dma_wait3A_157 : memref<128x128xf32, #tpu.memory_space<vmem>>)
    %add3A_163 = arith.constant 384 : i32
    %add3A_164 = arith.addi %mul3A_2, %add3A_163 : i32
    %dma_start3A_165 = arith.constant 0 : i32
    %dma_start3A_166 = arith.constant 0 : i32
    %dma_start3A_167 = arith.constant 0 : i32
    %dma_start3A_168 = tpu.memref_slice %arg8[%dma_start3A_165, %dma_start3A_166, %dma_start3A_167] : memref<3x128x128xf32, #tpu.memory_space<vmem>> -> memref<1x128x128xf32, #tpu.memory_space<vmem>>
    %dma_start3A_169 = tpu.memref_squeeze %dma_start3A_168 : memref<1x128x128xf32, #tpu.memory_space<vmem>> -> memref<128x128xf32, #tpu.memory_space<vmem>>
    %dma_start3A_170 = arith.constant 0 : i32
    %dma_start3A_171 = tpu.memref_slice %arg5[%add3A_164, %dma_start3A_170] : memref<16384x128xf32, #tpu.memory_space<hbm>> -> memref<128x128xf32, #tpu.memory_space<hbm>>
    %dma_start3A_172 = arith.constant 0 : i32
    %dma_start3A_173 = tpu.memref_slice %arg5[%add3A_164, %dma_start3A_172] : memref<16384x128xf32, #tpu.memory_space<hbm>> -> memref<128x128xf32, #tpu.memory_space<hbm>>
    %dma_start3A_174 = arith.constant 0 : i32
    %dma_start3A_175 = arith.constant 0 : i32
    %dma_start3A_176 = tpu.memref_slice %arg8[%dma_start3A_165, %dma_start3A_174, %dma_start3A_175] : memref<3x128x128xf32, #tpu.memory_space<vmem>> -> memref<1x128x128xf32, #tpu.memory_space<vmem>>
    %dma_start3A_177 = tpu.memref_squeeze %dma_start3A_176 : memref<1x128x128xf32, #tpu.memory_space<vmem>> -> memref<128x128xf32, #tpu.memory_space<vmem>>
    tpu.enqueue_dma source(%dma_start3A_177 : memref<128x128xf32, #tpu.memory_space<vmem>>) target(%dma_start3A_173 : memref<128x128xf32, #tpu.memory_space<hbm>>) target_semaphore(%arg15 : memref<!tpu.dma_semaphore, #tpu.memory_space<semaphore_mem>>)
    %dma_wait3A_178 = arith.constant 1 : i32
    %dma_wait3A_179 = arith.constant 0 : i32
    %dma_wait3A_180 = arith.constant 0 : i32
    %dma_wait3A_181 = tpu.memref_slice %arg8[%dma_wait3A_178, %dma_wait3A_179, %dma_wait3A_180] : memref<3x128x128xf32, #tpu.memory_space<vmem>> -> memref<1x128x128xf32, #tpu.memory_space<vmem>>
    %dma_wait3A_182 = tpu.memref_squeeze %dma_wait3A_181 : memref<1x128x128xf32, #tpu.memory_space<vmem>> -> memref<128x128xf32, #tpu.memory_space<vmem>>
    %dma_wait3A_183 = arith.constant 0 : i32
    %dma_wait3A_184 = tpu.memref_slice %arg5[%add3A_114, %dma_wait3A_183] : memref<16384x128xf32, #tpu.memory_space<hbm>> -> memref<128x128xf32, #tpu.memory_space<hbm>>
    %dma_wait3A_185 = arith.constant 0 : i32
    %dma_wait3A_186 = tpu.memref_slice %arg5[%add3A_114, %dma_wait3A_185] : memref<16384x128xf32, #tpu.memory_space<hbm>> -> memref<128x128xf32, #tpu.memory_space<hbm>>
    %dma_wait3A_187 = arith.constant 0 : i32
    %dma_wait3A_188 = arith.constant 0 : i32
    %dma_wait3A_189 = tpu.memref_slice %arg8[%dma_wait3A_178, %dma_wait3A_187, %dma_wait3A_188] : memref<3x128x128xf32, #tpu.memory_space<vmem>> -> memref<1x128x128xf32, #tpu.memory_space<vmem>>
    %dma_wait3A_190 = tpu.memref_squeeze %dma_wait3A_189 : memref<1x128x128xf32, #tpu.memory_space<vmem>> -> memref<128x128xf32, #tpu.memory_space<vmem>>
    tpu.wait_dma2 semaphore(%arg15 : memref<!tpu.dma_semaphore, #tpu.memory_space<semaphore_mem>>) src(%dma_wait3A_190 : memref<128x128xf32, #tpu.memory_space<vmem>>) dst(%dma_wait3A_186 : memref<128x128xf32, #tpu.memory_space<hbm>>)
    %dma_wait3A_191 = arith.constant 2 : i32
    %dma_wait3A_192 = arith.constant 0 : i32
    %dma_wait3A_193 = arith.constant 0 : i32
    %dma_wait3A_194 = tpu.memref_slice %arg8[%dma_wait3A_191, %dma_wait3A_192, %dma_wait3A_193] : memref<3x128x128xf32, #tpu.memory_space<vmem>> -> memref<1x128x128xf32, #tpu.memory_space<vmem>>
    %dma_wait3A_195 = tpu.memref_squeeze %dma_wait3A_194 : memref<1x128x128xf32, #tpu.memory_space<vmem>> -> memref<128x128xf32, #tpu.memory_space<vmem>>
    %dma_wait3A_196 = arith.constant 0 : i32
    %dma_wait3A_197 = tpu.memref_slice %arg5[%add3A_139, %dma_wait3A_196] : memref<16384x128xf32, #tpu.memory_space<hbm>> -> memref<128x128xf32, #tpu.memory_space<hbm>>
    %dma_wait3A_198 = arith.constant 0 : i32
    %dma_wait3A_199 = tpu.memref_slice %arg5[%add3A_139, %dma_wait3A_198] : memref<16384x128xf32, #tpu.memory_space<hbm>> -> memref<128x128xf32, #tpu.memory_space<hbm>>
    %dma_wait3A_200 = arith.constant 0 : i32
    %dma_wait3A_201 = arith.constant 0 : i32
    %dma_wait3A_202 = tpu.memref_slice %arg8[%dma_wait3A_191, %dma_wait3A_200, %dma_wait3A_201] : memref<3x128x128xf32, #tpu.memory_space<vmem>> -> memref<1x128x128xf32, #tpu.memory_space<vmem>>
    %dma_wait3A_203 = tpu.memref_squeeze %dma_wait3A_202 : memref<1x128x128xf32, #tpu.memory_space<vmem>> -> memref<128x128xf32, #tpu.memory_space<vmem>>
    tpu.wait_dma2 semaphore(%arg14 : memref<!tpu.dma_semaphore, #tpu.memory_space<semaphore_mem>>) src(%dma_wait3A_203 : memref<128x128xf32, #tpu.memory_space<vmem>>) dst(%dma_wait3A_199 : memref<128x128xf32, #tpu.memory_space<hbm>>)
    %dma_wait3A_204 = arith.constant 0 : i32
    %dma_wait3A_205 = arith.constant 0 : i32
    %dma_wait3A_206 = arith.constant 0 : i32
    %dma_wait3A_207 = tpu.memref_slice %arg8[%dma_wait3A_204, %dma_wait3A_205, %dma_wait3A_206] : memref<3x128x128xf32, #tpu.memory_space<vmem>> -> memref<1x128x128xf32, #tpu.memory_space<vmem>>
    %dma_wait3A_208 = tpu.memref_squeeze %dma_wait3A_207 : memref<1x128x128xf32, #tpu.memory_space<vmem>> -> memref<128x128xf32, #tpu.memory_space<vmem>>
    %dma_wait3A_209 = arith.constant 0 : i32
    %dma_wait3A_210 = tpu.memref_slice %arg5[%add3A_164, %dma_wait3A_209] : memref<16384x128xf32, #tpu.memory_space<hbm>> -> memref<128x128xf32, #tpu.memory_space<hbm>>
    %dma_wait3A_211 = arith.constant 0 : i32
    %dma_wait3A_212 = tpu.memref_slice %arg5[%add3A_164, %dma_wait3A_211] : memref<16384x128xf32, #tpu.memory_space<hbm>> -> memref<128x128xf32, #tpu.memory_space<hbm>>
    %dma_wait3A_213 = arith.constant 0 : i32
    %dma_wait3A_214 = arith.constant 0 : i32
    %dma_wait3A_215 = tpu.memref_slice %arg8[%dma_wait3A_204, %dma_wait3A_213, %dma_wait3A_214] : memref<3x128x128xf32, #tpu.memory_space<vmem>> -> memref<1x128x128xf32, #tpu.memory_space<vmem>>
    %dma_wait3A_216 = tpu.memref_squeeze %dma_wait3A_215 : memref<1x128x128xf32, #tpu.memory_space<vmem>> -> memref<128x128xf32, #tpu.memory_space<vmem>>
    tpu.wait_dma2 semaphore(%arg15 : memref<!tpu.dma_semaphore, #tpu.memory_space<semaphore_mem>>) src(%dma_wait3A_216 : memref<128x128xf32, #tpu.memory_space<vmem>>) dst(%dma_wait3A_212 : memref<128x128xf32, #tpu.memory_space<hbm>>)
    %dma_wait3A_217 = arith.constant 0 : i32
    %dma_wait3A_218 = tpu.memref_slice %arg9[%dma_wait3A_217] : memref<512xf32, #tpu.memory_space<vmem>> -> memref<128xf32, #tpu.memory_space<vmem>>
    %dma_wait3A_219 = arith.constant 0 : i32
    %dma_wait3A_220 = tpu.memref_slice %arg7[%dma_wait3A_219] : memref<512xi32, #tpu.memory_space<vmem>> -> memref<128xi32, #tpu.memory_space<vmem>>
    %dma_wait3A_221 = arith.constant 0 : i32
    %dma_wait3A_222 = tpu.memref_slice %arg3[%dma_wait3A_221] : memref<100000xf32, #tpu.memory_space<hbm>> -> memref<100000xf32, #tpu.memory_space<hbm>>
    tpu.wait_indirect_dma semaphore(%arg10 : memref<!tpu.dma_semaphore, #tpu.memory_space<semaphore_mem>>) src(%dma_wait3A_222 : memref<100000xf32, #tpu.memory_space<hbm>>) dst(%dma_wait3A_218 : memref<128xf32, #tpu.memory_space<vmem>>)
    %dma_wait3A_223 = arith.constant 128 : i32
    %dma_wait3A_224 = tpu.memref_slice %arg9[%dma_wait3A_223] : memref<512xf32, #tpu.memory_space<vmem>> -> memref<128xf32, #tpu.memory_space<vmem>>
    %dma_wait3A_225 = arith.constant 128 : i32
    %dma_wait3A_226 = tpu.memref_slice %arg7[%dma_wait3A_225] : memref<512xi32, #tpu.memory_space<vmem>> -> memref<128xi32, #tpu.memory_space<vmem>>
    %dma_wait3A_227 = arith.constant 0 : i32
    %dma_wait3A_228 = tpu.memref_slice %arg3[%dma_wait3A_227] : memref<100000xf32, #tpu.memory_space<hbm>> -> memref<100000xf32, #tpu.memory_space<hbm>>
    tpu.wait_indirect_dma semaphore(%arg10 : memref<!tpu.dma_semaphore, #tpu.memory_space<semaphore_mem>>) src(%dma_wait3A_228 : memref<100000xf32, #tpu.memory_space<hbm>>) dst(%dma_wait3A_224 : memref<128xf32, #tpu.memory_space<vmem>>)
    %dma_wait3A_229 = arith.constant 256 : i32
    %dma_wait3A_230 = tpu.memref_slice %arg9[%dma_wait3A_229] : memref<512xf32, #tpu.memory_space<vmem>> -> memref<128xf32, #tpu.memory_space<vmem>>
    %dma_wait3A_231 = arith.constant 256 : i32
    %dma_wait3A_232 = tpu.memref_slice %arg7[%dma_wait3A_231] : memref<512xi32, #tpu.memory_space<vmem>> -> memref<128xi32, #tpu.memory_space<vmem>>
    %dma_wait3A_233 = arith.constant 0 : i32
    %dma_wait3A_234 = tpu.memref_slice %arg3[%dma_wait3A_233] : memref<100000xf32, #tpu.memory_space<hbm>> -> memref<100000xf32, #tpu.memory_space<hbm>>
    tpu.wait_indirect_dma semaphore(%arg10 : memref<!tpu.dma_semaphore, #tpu.memory_space<semaphore_mem>>) src(%dma_wait3A_234 : memref<100000xf32, #tpu.memory_space<hbm>>) dst(%dma_wait3A_230 : memref<128xf32, #tpu.memory_space<vmem>>)
    %dma_wait3A_235 = arith.constant 384 : i32
    %dma_wait3A_236 = tpu.memref_slice %arg9[%dma_wait3A_235] : memref<512xf32, #tpu.memory_space<vmem>> -> memref<128xf32, #tpu.memory_space<vmem>>
    %dma_wait3A_237 = arith.constant 384 : i32
    %dma_wait3A_238 = tpu.memref_slice %arg7[%dma_wait3A_237] : memref<512xi32, #tpu.memory_space<vmem>> -> memref<128xi32, #tpu.memory_space<vmem>>
    %dma_wait3A_239 = arith.constant 0 : i32
    %dma_wait3A_240 = tpu.memref_slice %arg3[%dma_wait3A_239] : memref<100000xf32, #tpu.memory_space<hbm>> -> memref<100000xf32, #tpu.memory_space<hbm>>
    tpu.wait_indirect_dma semaphore(%arg10 : memref<!tpu.dma_semaphore, #tpu.memory_space<semaphore_mem>>) src(%dma_wait3A_240 : memref<100000xf32, #tpu.memory_space<hbm>>) dst(%dma_wait3A_236 : memref<128xf32, #tpu.memory_space<vmem>>)
    "tpu.region"() ({
      %run_scoped3A = tpu.sem_alloc : memref<!tpu.dma_semaphore, #tpu.memory_space<semaphore_mem>>
      %dma_start3A_241 = tpu.memref_slice %arg6[%mul3A_2] : memref<16384xf32, #tpu.memory_space<hbm>> -> memref<512xf32, #tpu.memory_space<hbm>>
      %dma_start3A_242 = tpu.memref_slice %arg6[%mul3A_2] : memref<16384xf32, #tpu.memory_space<hbm>> -> memref<512xf32, #tpu.memory_space<hbm>>
      tpu.enqueue_dma source(%arg9 : memref<512xf32, #tpu.memory_space<vmem>>) target(%dma_start3A_242 : memref<512xf32, #tpu.memory_space<hbm>>) target_semaphore(%run_scoped3A : memref<!tpu.dma_semaphore, #tpu.memory_space<semaphore_mem>>)
      %dma_wait3A_243 = tpu.memref_slice %arg6[%mul3A_2] : memref<16384xf32, #tpu.memory_space<hbm>> -> memref<512xf32, #tpu.memory_space<hbm>>
      %dma_wait3A_244 = tpu.memref_slice %arg6[%mul3A_2] : memref<16384xf32, #tpu.memory_space<hbm>> -> memref<512xf32, #tpu.memory_space<hbm>>
      tpu.wait_dma2 semaphore(%run_scoped3A : memref<!tpu.dma_semaphore, #tpu.memory_space<semaphore_mem>>) src(%arg9 : memref<512xf32, #tpu.memory_space<vmem>>) dst(%dma_wait3A_244 : memref<512xf32, #tpu.memory_space<hbm>>)
      tpu.yield
    }) : () -> ()
    return
  }
}

module attributes {stable_mosaic.version = 14 : i64} {
  func.func @_tc_body(%arg0: i32, %arg1: memref<1x1xf32, #tpu.memory_space<smem>>, %arg2: memref<2048x128xf32, #tpu.memory_space<vmem>>, %arg3: memref<2048xf32, #tpu.memory_space<vmem>>, %arg4: memref<2048xf32, #tpu.memory_space<vmem>>, %arg5: memref<128x128xbf16, #tpu.memory_space<vmem>>, %arg6: memref<128x1xf32, #tpu.memory_space<vmem>>, %arg7: memref<5x128xbf16, #tpu.memory_space<vmem>>, %arg8: memref<5x1xf32, #tpu.memory_space<vmem>>, %arg9: memref<5x2048xf32, #tpu.memory_space<vmem>>) attributes {dimension_semantics = [#tpu.dimension_semantics<arbitrary>], iteration_bounds = array<i64: 8>, scalar_prefetch = 0 : i64, scratch_operands = 0 : i64, tpu.core_type = #tpu.core_type<tc>, window_params = [{transform_indices = @transform_0, window_bounds = array<i64: 1, 1>}, {transform_indices = @transform_1, window_bounds = array<i64: 2048, 128>}, {transform_indices = @transform_2, window_bounds = array<i64: 2048>}, {transform_indices = @transform_3, window_bounds = array<i64: 2048>}, {pipeline_mode = #tpu.pipeline_mode<synchronous>, transform_indices = @transform_4, window_bounds = array<i64: 128, 128>}, {pipeline_mode = #tpu.pipeline_mode<synchronous>, transform_indices = @transform_5, window_bounds = array<i64: 128, 1>}, {pipeline_mode = #tpu.pipeline_mode<synchronous>, transform_indices = @transform_6, window_bounds = array<i64: 5, 128>}, {pipeline_mode = #tpu.pipeline_mode<synchronous>, transform_indices = @transform_7, window_bounds = array<i64: 5, 1>}, {transform_indices = @transform_8, window_bounds = array<i64: 5, 2048>}]} {
    %get3A = arith.constant 0 : index
    %get3A_0 = vector.load %arg3[%get3A] : memref<2048xf32, #tpu.memory_space<vmem>>, vector<2048xf32>
    %get3A_1 = arith.constant 0 : index
    %get3A_2 = vector.load %arg4[%get3A_1] : memref<2048xf32, #tpu.memory_space<vmem>>, vector<2048xf32>
    %sub3A = arith.subf %get3A_2, %get3A_0 : vector<2048xf32>
    %max3A = arith.constant 0.000000e+00 : f32
    %max3A_3 = vector.broadcast %max3A : f32 to vector<2048xf32>
    %max3A_4 = arith.maximumf %sub3A, %max3A_3 : vector<2048xf32>
    %get3A_5 = arith.constant 0 : index
    %get3A_6 = arith.constant 0 : index
    %get3A_7 = memref.load %arg1[%get3A_5, %get3A_6] : memref<1x1xf32, #tpu.memory_space<smem>>
    %broadcast_in_dim3A = vector.broadcast %get3A_7 : f32 to vector<128xf32>
    %exp3A = math.exp %broadcast_in_dim3A : vector<128xf32>
    %log1p3A = math.log1p %exp3A : vector<128xf32>
    %slice3A = vector.extract_strided_slice %log1p3A {offsets = [0], sizes = [1], strides = [1]} : vector<128xf32> to vector<1xf32>
    %squeeze3A = vector.extract %slice3A[0] : f32 from vector<1xf32>
    %neg3A = arith.constant 0.000000e+00 : f32
    %neg3A_8 = arith.subf %neg3A, %squeeze3A : f32
    %mul3A = vector.broadcast %neg3A_8 : f32 to vector<2048xf32>
    %mul3A_9 = arith.mulf %mul3A, %max3A_4 : vector<2048xf32>
    %exp3A_10 = math.exp %mul3A_9 : vector<2048xf32>
    %get3A_11 = arith.constant 0 : index
    %get3A_12 = arith.constant 0 : index
    %get3A_13 = vector.load %arg2[%get3A_11, %get3A_12] : memref<2048x128xf32, #tpu.memory_space<vmem>>, vector<2048x128xf32>
    %convert_element_type3A = arith.truncf %get3A_13 : vector<2048x128xf32> to vector<2048x128xbf16>
    %get3A_14 = arith.constant 0 : index
    %get3A_15 = arith.constant 0 : index
    %get3A_16 = vector.load %arg5[%get3A_14, %get3A_15] : memref<128x128xbf16, #tpu.memory_space<vmem>>, vector<128x128xbf16>
    %dot_general3A = arith.constant dense<0.000000e+00> : vector<128x2048xf32>
    %dot_general3A_17 = tpu.matmul %get3A_16, %convert_element_type3A, %dot_general3A {dimension_numbers = #tpu.dot_dimension_numbers<[1], [1], [0], [0], [0, 0, 1, 0], [], []>, transpose_lhs_hint = false} : vector<128x128xbf16>, vector<2048x128xbf16>, vector<128x2048xf32> -> vector<128x2048xf32>
    %broadcast_in_dim3A_18 = vector.shape_cast %exp3A_10 : vector<2048xf32> to vector<1x2048xf32>
    %mul3A_19 = vector.broadcast %broadcast_in_dim3A_18 : vector<1x2048xf32> to vector<128x2048xf32>
    %mul3A_20 = arith.mulf %dot_general3A_17, %mul3A_19 : vector<128x2048xf32>
    %get3A_21 = arith.constant 0 : index
    %get3A_22 = arith.constant 0 : index
    %get3A_23 = vector.load %arg6[%get3A_21, %get3A_22] : memref<128x1xf32, #tpu.memory_space<vmem>>, vector<128x1xf32>
    %add3A = vector.broadcast %get3A_23 : vector<128x1xf32> to vector<128x2048xf32>
    %add3A_24 = arith.addf %mul3A_20, %add3A : vector<128x2048xf32>
    %max3A_25 = arith.constant 0.000000e+00 : f32
    %max3A_26 = vector.broadcast %max3A_25 : f32 to vector<128x2048xf32>
    %max3A_27 = arith.maximumf %add3A_24, %max3A_26 : vector<128x2048xf32>
    %get3A_28 = arith.constant 0 : index
    %get3A_29 = arith.constant 0 : index
    %get3A_30 = vector.load %arg7[%get3A_28, %get3A_29] : memref<5x128xbf16, #tpu.memory_space<vmem>>, vector<5x128xbf16>
    %convert_element_type3A_31 = arith.truncf %max3A_27 : vector<128x2048xf32> to vector<128x2048xbf16>
    %dot_general3A_32 = arith.constant dense<0.000000e+00> : vector<5x2048xf32>
    %dot_general3A_33 = tpu.matmul %get3A_30, %convert_element_type3A_31, %dot_general3A_32 {dimension_numbers = #tpu.dot_dimension_numbers<[1], [0], [0], [1], [0, 0, 1, 1], [], []>, transpose_lhs_hint = false} : vector<5x128xbf16>, vector<128x2048xbf16>, vector<5x2048xf32> -> vector<5x2048xf32>
    %get3A_34 = arith.constant 0 : index
    %get3A_35 = arith.constant 0 : index
    %get3A_36 = vector.load %arg8[%get3A_34, %get3A_35] : memref<5x1xf32, #tpu.memory_space<vmem>>, vector<5x1xf32>
    %add3A_37 = vector.broadcast %get3A_36 : vector<5x1xf32> to vector<5x2048xf32>
    %add3A_38 = arith.addf %dot_general3A_33, %add3A_37 : vector<5x2048xf32>
    %reduce_max3A = arith.constant dense<0xFF800000> : vector<2048xf32>
    %reduce_max3A_39 = vector.multi_reduction <maximumf>, %add3A_38, %reduce_max3A [0] : vector<5x2048xf32> to vector<2048xf32>
    %broadcast_in_dim3A_40 = vector.shape_cast %reduce_max3A_39 : vector<2048xf32> to vector<1x2048xf32>
    %sub3A_41 = vector.broadcast %broadcast_in_dim3A_40 : vector<1x2048xf32> to vector<5x2048xf32>
    %sub3A_42 = arith.subf %add3A_38, %sub3A_41 : vector<5x2048xf32>
    %exp3A_43 = math.exp %sub3A_42 : vector<5x2048xf32>
    %reduce_sum3A = arith.constant dense<0.000000e+00> : vector<2048xf32>
    %reduce_sum3A_44 = vector.multi_reduction <add>, %exp3A_43, %reduce_sum3A [0] : vector<5x2048xf32> to vector<2048xf32>
    %broadcast_in_dim3A_45 = vector.shape_cast %reduce_sum3A_44 : vector<2048xf32> to vector<1x2048xf32>
    %div3A = vector.broadcast %broadcast_in_dim3A_45 : vector<1x2048xf32> to vector<5x2048xf32>
    %div3A_46 = arith.divf %exp3A_43, %div3A : vector<5x2048xf32>
    %swap3A = arith.constant 0 : index
    %swap3A_47 = arith.constant 0 : index
    %swap3A_48 = vector.load %arg9[%swap3A, %swap3A_47] : memref<5x2048xf32, #tpu.memory_space<vmem>>, vector<5x2048xf32>
    tpu.vector_store %arg9[%swap3A, %swap3A_47], %div3A_46 {strides = array<i32>} : memref<5x2048xf32, #tpu.memory_space<vmem>>, vector<5x2048xf32>,
    return
  }
  func.func @transform_0(%arg0: i32) -> (i32, i32) {
    %c0_i32 = arith.constant 0 : i32
    %c0_i32_0 = arith.constant 0 : i32
    %c0_i32_1 = arith.constant 0 : i32
    return %c0_i32, %c0_i32_0 : i32, i32
  }
  func.func @transform_1(%arg0: i32) -> (i32, i32) {
    %c0_i32 = arith.constant 0 : i32
    %c0_i32_0 = arith.constant 0 : i32
    return %arg0, %c0_i32 : i32, i32
  }
  func.func @transform_2(%arg0: i32) -> i32 {
    %c0_i32 = arith.constant 0 : i32
    return %arg0 : i32
  }
  func.func @transform_3(%arg0: i32) -> i32 {
    %c0_i32 = arith.constant 0 : i32
    return %arg0 : i32
  }
  func.func @transform_4(%arg0: i32) -> (i32, i32) {
    %c0_i32 = arith.constant 0 : i32
    %c0_i32_0 = arith.constant 0 : i32
    %c0_i32_1 = arith.constant 0 : i32
    return %c0_i32, %c0_i32_0 : i32, i32
  }
  func.func @transform_5(%arg0: i32) -> (i32, i32) {
    %c0_i32 = arith.constant 0 : i32
    %c0_i32_0 = arith.constant 0 : i32
    %c0_i32_1 = arith.constant 0 : i32
    return %c0_i32, %c0_i32_0 : i32, i32
  }
  func.func @transform_6(%arg0: i32) -> (i32, i32) {
    %c0_i32 = arith.constant 0 : i32
    %c0_i32_0 = arith.constant 0 : i32
    %c0_i32_1 = arith.constant 0 : i32
    return %c0_i32, %c0_i32_0 : i32, i32
  }
  func.func @transform_7(%arg0: i32) -> (i32, i32) {
    %c0_i32 = arith.constant 0 : i32
    %c0_i32_0 = arith.constant 0 : i32
    %c0_i32_1 = arith.constant 0 : i32
    return %c0_i32, %c0_i32_0 : i32, i32
  }
  func.func @transform_8(%arg0: i32) -> (i32, i32) {
    %c0_i32 = arith.constant 0 : i32
    %c0_i32_0 = arith.constant 0 : i32
    return %c0_i32, %arg0 : i32, i32
  }
}

</mosaic_0001>

<sc_bundles>
// kernel: kernel.11.cloned.1.call-start
scs
__scs_entry_jumppad:
0x0: {  	(pc) =	sbr.rel $0x88, $3  }
0x1: {  	(tag) =	ssettag $0x0;
	lr =	simm.s32 $0x1  }
0x2: {  	[smem:$0x3F96] =	sst lr;
	_ =	strace $0xD0000000  }
0x3: {  	_ = 	snop  }
0x4: {  	_ = 	snop  }
0x5: {  	_ = 	snop  }
0x6: {  	_ = 	snop  }
0x7: {  	_ = 	snop  }
__scs_overlays_trampoline_lowered:
0x8: {  	[smem:$0x3FA5] =	sst s0  }
0x9: {  	[smem:$0x3FA6] =	sst s1  }
0xa: {  	[smem:$0x3FA7] =	sst s2  }
0xb: {  	[smem:$0x3FA8] =	sst s3  }
0xc: {  	[smem:$0x3FA9] =	sst s4  }
0xd: {  	[smem:$0x3FAA] =	sst s5  }
0xe: {  	[smem:$0x3FAB] =	sst s6  }
0xf: {  	[smem:$0x3FAC] =	sst s7  }
0x10: {  	[smem:$0x3FAD] =	sst s8  }
0x11: {  	[smem:$0x3FAE] =	sst s9;
	s0 =	simm.s32 @!p0 $0x0  }
0x12: {  	s1 =	sld [smem:$0x3F94];
	s0 =	simm.s32 @p0 $0x1  }
0x13: {  	[smem:$0x3FAF] =	sst s0;
	s0 =	simm.s32 @!p1 $0x0  }
0x14: {  	s2 =	sld [smem:$0x3F93];
	s0 =	simm.s32 @p1 $0x1  }
0x15: {  	[smem:$0x3FB0] =	sst s0;
	s0 =	simm.s32 @!p2 $0x0  }
0x16: {  	s3 =	sld [smem:$0x3FDB];
	s0 =	simm.s32 @p2 $0x1  }
0x17: {  	s4 =	simm.s32 $0x1BF5;
	[smem:$0x3FB2] =	sst s0  }
0x18: {  	s0 =	sld [smem:$0x3F95];
	_ =	swait.ge [sflag:s4], $0x0  }
0x19: {  	s7 =	sld [smem:$0x3F96]  }
0x1a: {  	s8 =	sadd.s32 $0xFFFFE003, lr  }
0x1b: {  	s9 =	sadd.s32 $0xFFFFFEF7, lr;
	s5 =	simm.s32 $0xFFFFFFFF;
	p2 =	slt.u32 s8, $0xFFFFF086  }
0x1c: {  	p1 =	slt.u32 s9, $0xF7A;
	s5 =	simm.s32 @!p2 $0x0  }
0x1d: {  	s5 =	simm.s32 @p1 $0x1;
	p0 =	seq.s32 s7, s2  }
0x1e: {  	s7 =	smul.u32 @!p0 $0xF7A, s2;
	p2 =	seq.s32 @!p0 s5, $0x0  }
0x1f: {  	s9 =	smul.u32 $0xF7A, s1;
	s8 =	simm.s32 @!p0 $0x1BF5;
	p2 =	por !p2, p0  }
0x20: {  	[sflag:s8] =	ssyncset.s32 @!p0 $0xFFFFF086;
	s6 =	sadd.s32 @!p0 s3, s7;
	s7 =	simm.s32 @!p0 $0x108  }
0x21: {  	s3 =	sadd.s32 s3, s9;
	s6 =	sadd.s32 @!p0 $0x88, s6;
	s7 =	simm.s32 @p2 $0x1082  }
0x22: {  	[simem:s7], [sflag:s8] =	dma.local @!p0 [hbm:s6], $0xF7A  }
0x23: {  	s9 =	sor.u32 $0xD0000000, s2;
	s6 =	simm.s32 $0x108;
	_ =	swait.ge @!p0 [sflag:s8], $0x0  }
0x24: {  	s3 =	sadd.s32 $0x88, s3;
	s6 =	simm.s32 @!p1 $0x1082;
	[sflag:s4] =	ssyncset.s32 $0xFFFFF086  }
0x25: {  	[simem:s6], [sflag:s4] =	dma.local [hbm:s3], $0xF7A  }
0x26: {  	[smem:$0x3F96] =	sst s1;
	(tag) =	ssettag s2;
	_ =	strace s9  }
0x27: {  	s1 =	sld [smem:$0x3FA6]  }
0x28: {  	s2 =	sld [smem:$0x3FA7]  }
0x29: {  	s4 =	sld [smem:$0x3FA9]  }
0x2a: {  	p0 =	seq.s32 s5, $0x0;
	s5 =	sld [smem:$0x3FAA]  }
0x2b: {  	s6 =	sld [smem:$0x3FAB]  }
0x2c: {  	s7 =	sld [smem:$0x3FAC]  }
0x2d: {  	s3 =	simm.s32 $0x108;
	s8 =	sld [smem:$0x3FAD]  }
0x2e: {  	s3 =	simm.s32 @!p0 $0x1082;
	s9 =	sld [smem:$0x3FAE]  }
0x2f: {  	lr =	sadd.s32 s0, s3;
	s0 =	sld [smem:$0x3FA5]  }
0x30: {  	s3 =	sld [smem:$0x3FA8]  }
0x31: {  	[smem:$0x3FB1] =	sst s10  }
0x32: {  	s10 =	sld [smem:$0x3FAF];
	_ =	sdelay $0x3  }
0x33: {  	p0 =	seq.s32 s10, $0x1;
	s10 =	sld [smem:$0x3FB1];
	_ =	sdelay $0x3  }
0x34: {  	[smem:$0x3FB1] =	sst s10  }
0x35: {  	s10 =	sld [smem:$0x3FB0];
	_ =	sdelay $0x3  }
0x36: {  	p1 =	seq.s32 s10, $0x1;
	s10 =	sld [smem:$0x3FB1];
	_ =	sdelay $0x3  }
0x37: {  	[smem:$0x3FB1] =	sst s10  }
0x38: {  	s10 =	sld [smem:$0x3FB2]  }
0x39: {  	_ = 	snop;
	(pc) =	sbr.ind lr, $3  }
0x3a: {  	_ = 	snop  }
0x3b: {  	_ = 	snop  }
0x3c: {  	p2 =	seq.s32 s10, $0x1;
	s10 =	sld [smem:$0x3FB1]  }
0x3d: {  	_ =	shalt  }
0x3e: {  	_ =	shalt  }
0x3f: {  	_ =	shalt  }
0x40: {  	_ =	shalt  }
0x41: {  	_ =	shalt  }
0x42: {  	_ =	shalt  }
0x43: {  	_ =	shalt  }
0x44: {  	_ =	shalt  }
0x45: {  	_ =	shalt  }
0x46: {  	_ =	shalt  }
0x47: {  	_ =	shalt  }
0x48: {  	_ =	shalt  }
0x49: {  	_ =	shalt  }
0x4a: {  	_ =	shalt  }
0x4b: {  	_ =	shalt  }
0x4c: {  	_ =	shalt  }
0x4d: {  	_ =	shalt  }
0x4e: {  	_ =	shalt  }
0x4f: {  	_ =	shalt  }
0x50: {  	_ =	shalt  }
0x51: {  	_ =	shalt  }
0x52: {  	_ =	shalt  }
0x53: {  	_ =	shalt  }
0x54: {  	_ =	shalt  }
0x55: {  	_ =	shalt  }
0x56: {  	_ =	shalt  }
0x57: {  	_ =	shalt  }
0x58: {  	_ =	shalt  }
0x59: {  	_ =	shalt  }
0x5a: {  	_ =	shalt  }
0x5b: {  	_ =	shalt  }
0x5c: {  	_ =	shalt  }
0x5d: {  	_ =	shalt  }
0x5e: {  	_ =	shalt  }
0x5f: {  	_ =	shalt  }
0x60: {  	_ =	shalt  }
0x61: {  	_ =	shalt  }
0x62: {  	_ =	shalt  }
0x63: {  	_ =	shalt  }
0x64: {  	_ =	shalt  }
0x65: {  	_ =	shalt  }
0x66: {  	_ =	shalt  }
0x67: {  	_ =	shalt  }
0x68: {  	_ =	shalt  }
0x69: {  	_ =	shalt  }
0x6a: {  	_ =	shalt  }
0x6b: {  	_ =	shalt  }
0x6c: {  	_ =	shalt  }
0x6d: {  	_ =	shalt  }
0x6e: {  	_ =	shalt  }
0x6f: {  	_ =	shalt  }
0x70: {  	_ =	shalt  }
0x71: {  	_ =	shalt  }
0x72: {  	_ =	shalt  }
0x73: {  	_ =	shalt  }
0x74: {  	_ =	shalt  }
0x75: {  	_ =	shalt  }
0x76: {  	_ =	shalt  }
0x77: {  	_ =	shalt  }
0x78: {  	_ =	shalt  }
0x79: {  	_ =	shalt  }
0x7a: {  	_ =	shalt  }
0x7b: {  	_ =	shalt  }
0x7c: {  	_ =	shalt  }
0x7d: {  	_ =	shalt  }
0x7e: {  	_ =	shalt  }
0x7f: {  	_ =	shalt  }
0x80: {  	_ =	shalt  }
0x81: {  	_ =	shalt  }
0x82: {  	_ =	shalt  }
0x83: {  	_ =	shalt  }
0x84: {  	_ =	shalt  }
0x85: {  	_ =	shalt  }
0x86: {  	_ =	shalt  }
0x87: {  	_ =	shalt  }
.Lfunc_end0:
.L_simem_size_0:
called_computation.1_lowered:
.L_overlay_start_0:
0x88: {  	s2 =	sld [smem:$0x3FD9]  }
0x89: {  	s3 =	sld [smem:$0x3FFE];
	_ =	sdelay $0x1  }
0x8a: {  	s1 =	srdreg.scid  }
0x8b: {  	s0 =	sand.u32 $0x1, s1  }
0x8c: {  	s15 =	sshll.u32 s0, $0xA;
	s2 =	sadd.s32 s3, s2  }
0x8d: {  	s2 =	sadd.s32 s2, s15  }
0x8e: {  	[smem:$0x3FBD] =	sst s2  }
0x8f: {  	_ = 	snop  }
0x90: {  	s16 =	sld [smem:$0x3FD0]  }
0x91: {  	s2 =	sld [smem:$0x3FC8]  }
0x92: {  	s4 =	sld [smem:$0x3FC5]  }
0x93: {  	s6 =	simm.s32 $0xC;
	s7 =	simm.s32 $0x10;
	s5 =	sld [smem:$0x3FC4]  }
0x94: {  	[smem:s7], [sflag:s6] =	dma.local [hbm:s16], $0x1  }
0x95: {  	_ =	swait.eq [sflag:s6], $0x1  }
0x96: {  	[sflag:s6] =	ssyncset.done $0x0  }
0x97: {  	[sflag:s6] =	ssyncadd.s32 $0xFFFFFFFF  }
0x98: {  	s17 =	sld [smem:$0x11];
	(tm) =	ssettm $0x1  }
0x99: {  	s18 =	sld [smem:$0x3FFB];
	_ =	sdelay $0x3  }
0x9a: {  	_ =	strace s18  }
0x9b: {  	s3 =	sld [smem:$0x3FFC];
	_ =	sdelay $0x3  }
0x9c: {  	_ =	strace s3  }
0x9d: {  	s3 =	sld [smem:$0x3FFD];
	_ =	sdelay $0x3  }
0x9e: {  	_ =	strace s3  }
0x9f: {  	_ =	strace $0x8FFFFFFF  }
0xa0: {  	s19 =	sld [smem:$0x3FDB];
	_ =	sdelay $0x1  }
0xa1: {  	s20 =	simm.s32 $_scs_section_size  }
0xa2: {  	s8 =	simm.s32 $_size__tile_overlayer_lowered;
	s9 =	simm.s32 $_tile_overlayer_lowered  }
0xa3: {  	s10 =	simm.s32 $0x1BFF;
	s21 =	sshll.u32 s9, $0x1;
	s7 =	sadd.s32 s20, s19  }
0xa4: {  	s22 =	simm.s32 $0x0;
	s8 =	sshll.u32 s8, $0x1;
	s9 =	sadd.s32 s21, s7  }
0xa5: {  	[timem:s22], [sflag:s10] =	dma.local [hbm:s9], s8  }
0xa6: {  	_ =	swait.ge [sflag:s10], s8  }
0xa7: {  	s8 =	ssub.s32 $0x0, s8;
	[sflag:s10] =	ssyncset.done $0x0  }
0xa8: {  	[sflag:s10] =	ssyncadd.s32 s8;
	_ =	sdelay $0x1  }
0xa9: {  	s23 =	simm.s32 $0x1B8B  }
0xaa: {  	_ =	swait.ge [sflag:s23], $0x1  }
0xab: {  	[sflag:s23] =	ssyncset.done $0x0  }
0xac: {  	[sflag:s23] =	ssyncadd.s32 $0xFFFFFFFF  }
0xad: {  	s8 =	sld [smem:$0x0]  }
0xae: {  	s9 =	sand.u32 $0xFFFFFFFE, s1  }
0xaf: {  	p0 =	sne.s32 s1, s9  }
0xb0: {  	s9 =	sshll.u32 @p0 s9, $0xE  }
0xb1: {  	s9 =	sadd.s32 @p0 $0x11B8D, s9;
	s10 =	sshll.u32 @p0 s8, $0x11  }
0xb2: {  	s9 =	sor.u32 @p0 s10, s9  }
0xb3: {  	[sflag:s9] =	ssyncadd.remote.s32 @p0 $0x1;
	_ =	sdelay $0x1  }
0xb4: {  	s9 =	simm.s32 @p0 $0x1B8D  }
0xb5: {  	_ =	swait.eq @p0 [sflag:s9], $0x1  }
0xb6: {  	[sflag:s9] =	ssyncadd.s32 @p0 $0xFFFFFFFF  }
0xb7: {  	s10 =	sshll.u32 @!p0 s1, $0xE  }
0xb8: {  	s10 =	sor.u32 @!p0 $0x4000, s10;
	s9 =	simm.s32 @!p0 $0x1B8D  }
0xb9: {  	s8 =	sshll.u32 @!p0 s8, $0x11;
	s10 =	sadd.s32 @!p0 $0x11B8D, s10;
	_ =	swait.eq @!p0 [sflag:s9], $0x1  }
0xba: {  	s8 =	sor.u32 @!p0 s8, s10;
	[sflag:s9] =	ssyncadd.s32 @!p0 $0xFFFFFFFF  }
0xbb: {  	s25 =	simm.s32 $0x1B8E;
	s24 =	sld [smem:$0x3FFE];
	[sflag:s8] =	ssyncadd.remote.s32 @!p0 $0x1  }
0xbc: {  	s26 =	simm.s32 $execute0_lowered;
	[smem:$0x3FD2] =	sst s25  }
0xbd: {  	s9 =	sshll.u32 s26, $0x1;
	_ =	strace $0x80000049;
	[dreg:$0x1] =	wrdreg $0xFFFFFFFF  }
0xbe: {  	s28 =	simm.s32 $_size_execute0_lowered;
	s7 =	sadd.s32 s7, s9;
	[dreg:$0x0] =	wrdreg $0x0  }
0xbf: {  	s9 =	sshll.u32 s28, $0x1;
	[dreg:$0x2] =	wrdreg s7  }
0xc0: {  	[dreg:$0x3] =	wrdreg s9  }
0xc1: {  	[dreg:$0x4] =	wrdreg $0xC0  }
0xc2: {  	_ =	task [dreg:s22], $0x5FFFF  }
0xc3: {  	[dreg:$0x1] =	wrdreg $0xFFFFFFFF  }
0xc4: {  	[dreg:$0x0] =	wrdreg $0x60  }
0xc5: {  	[dreg:$0x2] =	wrdreg s4  }
0xc6: {  	[dreg:$0x3] =	wrdreg s5  }
0xc7: {  	[dreg:$0x4] =	wrdreg s2  }
0xc8: {  	[dreg:$0x5] =	wrdreg s24  }
0xc9: {  	[dreg:$0x6] =	wrdreg s17  }
0xca: {  	[dreg:$0x7] =	wrdreg $0xA  }
0xcb: {  	_ =	task.clear_ibuf [dreg:s22], $0x8FFFF;
	_ =	strace $0x90000049  }
0xcc: {  	s29 =	simm.s32 $0xA;
	_ =	strace $0x8000004B  }
0xcd: {  	_ =	swait.ge [sflag:s29], $0x1  }
0xce: {  	[sflag:s29] =	ssyncadd.s32 $0xFFFFFFFF  }
0xcf: {  	_ =	strace $0x9000004B  }
0xd0: {  	_ =	sfence  }
0xd1: {  	s30 =	sld [smem:$0x0];
	_ =	sdelay $0x2  }
0xd2: {  	s31 =	sshll.u32 s1, $0xD;
	s1 =	sshrl.u32 s1, $0x2  }
0xd3: {  	s4 =	sand.u32 $0x4000, s31;
	s1 =	sadd.s32 s1, s30  }
0xd4: {  	s0 =	sor.u32 s4, s0;
	s1 =	sshll.u32 s1, $0x11  }
0xd5: {  	s0 =	sor.u32 s1, s0  }
0xd6: {  	s0 =	sadd.s32 $0x8F2B, s0  }
0xd7: {  	[sflag:s0] =	ssyncadd.remote.s32 $0x1  }
0xd8: {  	_ =	sfence.sel $0xFFFF  }
0xd9: {  	[dreg:$0x0] =	wrdreg $0xFFFFFFFF;
	(pc) =	sbr.abs _section_cstart, $3  }
0xda: {  	[dreg:$0x1] =	wrdreg $0xFFFFFFFF  }
0xdb: {  	_ =	task.clear_ibuf [dreg:s22], $0x2FFFF;
	_ =	strace $0x9FFFFFFF  }
0xdc: {  	(tm) =	ssettm $0x7FFFFFFF  }
0xdd: {  	_ =	shalt  }
tec
execute0_lowered:
.L_overlay_start_1:
0x0: {  	(tag) =	ssettag $0x1  }
0x1: {  	s1 =	rddreg [dreg:$0x0]  }
0x2: {  	s2 =	rddreg [dreg:$0x1]  }
0x3: {  	s5 =	rddreg [dreg:$0x2];
	s3 =	srdreg.scid  }
0x4: {  	s18 =	rddreg [dreg:$0x3];
	s0 =	stileid.u32;
	s29 =	sand.u32 $0x1, s3  }
0x5: {  	s28 =	rddreg [dreg:$0x4];
	s6 =	sshll.u32 s0, $0xA;
	s7 =	sshll.u32 s29, $0x9  }
0x6: {  	s4 =	simm.s32 $0x0;
	s3 =	rddreg [dreg:$0x5];
	s19 =	sor.u32 s7, s6  }
0x7: {  	[smem:$0x7FF] =	sst s4;
	s30 =	sshrl.u32 s19, $0x3  }
0x8: {  	_ =	strace $0x8000004A;
	s6 =	sadd.s32 s5, s30;
	s5 =	simm.s32 $0x7  }
0x9: {  	[tilespmem:s4], [sflag:$0x7] =	stream.linear.gather [hbm4b:s6+s4], $0x200, $0x38;
	[tilespmem:$0xC400] =	vst v63  }
0xa: {  	_ =	swait.ge [sflag:s5], $0x200  }
0xb: {  	[sflag:s5] =	ssyncset.done $0x0  }
0xc: {  	s8 =	simm.s32 $0xC200;
	s7 =	simm.s32 $0x80;
	[sflag:s5] =	ssyncadd.s32 $0xFFFFFE00  }
0xd: {  	[tilespmem:s8], [sflag:$0x1] =	stream.indirect.gather [hbm4b:s2+s7], $0x1, s4, s7, $0xb8;
	[tilespmem:$0xC400] =	vst v63  }
0xe: {  	s9 =	simm.s32 $0xC280  }
0xf: {  	[tilespmem:s9], [sflag:$0x1] =	stream.indirect.gather [hbm4b:s2+s7], $0x1, s7, s7, $0xb8;
	[tilespmem:$0xC400] =	vst v63  }
0x10: {  	s10 =	simm.s32 $0x100;
	s11 =	simm.s32 $0xC300  }
0x11: {  	[tilespmem:s11], [sflag:$0x1] =	stream.indirect.gather [hbm4b:s2+s7], $0x1, s10, s7, $0xb8;
	[tilespmem:$0xC400] =	vst v63  }
0x12: {  	s12 =	simm.s32 $0x180;
	s13 =	simm.s32 $0xC380  }
0x13: {  	[tilespmem:s13], [sflag:$0x1] =	stream.indirect.gather [hbm4b:s2+s7], $0x1, s12, s7, $0xb8;
	[tilespmem:$0xC400] =	vst v63  }
0x14: {  	s14 =	simm.s32 $0x200  }
0x15: {  	[tilespmem:s14], [sflag:$0x2] =	stream.indirect.gather [hbm4b:s1+s7], $0x80, s4, s7, $0xb8;
	[tilespmem:$0xC400] =	vst v63  }
0x16: {  	s15 =	simm.s32 $0x4200  }
0x17: {  	[tilespmem:s15], [sflag:$0x3] =	stream.indirect.gather [hbm4b:s1+s7], $0x80, s7, s7, $0xb8;
	[tilespmem:$0xC400] =	vst v63  }
0x18: {  	s16 =	simm.s32 $0x8200;
	s17 =	simm.s32 $0x2  }
0x19: {  	[tilespmem:s16], [sflag:$0x4] =	stream.indirect.gather [hbm4b:s1+s7], $0x80, s10, s7, $0xb8;
	[tilespmem:$0xC400] =	vst v63  }
0x1a: {  	s19 =	sshll.u32 s19, $0x4;
	_ =	swait.ge [sflag:s17], $0x4000  }
0x1b: {  	s24 =	sadd.s32 s19, s18;
	[sflag:s17] =	ssyncset.done $0x0  }
0x1c: {  	s19 =	simm.s32 $0x5;
	s18 =	sadd.s32 $0x42E00, s24;
	[sflag:s17] =	ssyncadd.s32 $0xFFFFC000  }
0x1d: {  	[hbm4b:s18+s4] =	stream.linear.scatter [tilespmem:s14], [sflag:$0x5], $0x4000, $0x38;
	[tilespmem:$0xC400] =	vst v63  }
0x1e: {  	_ =	swait.ge [sflag:s19], $0x4000  }
0x1f: {  	[sflag:s19] =	ssyncset.done $0x0  }
0x20: {  	s20 =	simm.s32 $0x3;
	[sflag:s19] =	ssyncadd.s32 $0xFFFFC000  }
0x21: {  	[tilespmem:s14], [sflag:$0x2] =	stream.indirect.gather [hbm4b:s1+s7], $0x80, s12, s7, $0xb8;
	[tilespmem:$0xC400] =	vst v63  }
0x22: {  	_ =	swait.ge [sflag:s20], $0x4000  }
0x23: {  	[sflag:s20] =	ssyncset.done $0x0  }
0x24: {  	s22 =	simm.s32 $0x4;
	s21 =	sadd.s32 $0x43600, s24;
	[sflag:s20] =	ssyncadd.s32 $0xFFFFC000  }
0x25: {  	[hbm4b:s21+s4] =	stream.linear.scatter [tilespmem:s15], [sflag:$0x6], $0x4000, $0x38;
	[tilespmem:$0xC400] =	vst v63  }
0x26: {  	_ =	swait.ge [sflag:s22], $0x4000  }
0x27: {  	[sflag:s22] =	ssyncset.done $0x0  }
0x28: {  	s23 =	sadd.s32 $0x43E00, s24;
	[sflag:s22] =	ssyncadd.s32 $0xFFFFC000  }
0x29: {  	[hbm4b:s23+s4] =	stream.linear.scatter [tilespmem:s16], [sflag:$0x5], $0x4000, $0x38;
	[tilespmem:$0xC400] =	vst v63  }
0x2a: {  	_ =	swait.ge [sflag:s17], $0x4000  }
0x2b: {  	[sflag:s17] =	ssyncset.done $0x0  }
0x2c: {  	s25 =	simm.s32 $0x6;
	s24 =	sadd.s32 $0x44600, s24;
	[sflag:s17] =	ssyncadd.s32 $0xFFFFC000  }
0x2d: {  	[hbm4b:s24+s4] =	stream.linear.scatter [tilespmem:s14], [sflag:$0x6], $0x4000, $0x38;
	[tilespmem:$0xC400] =	vst v63  }
0x2e: {  	_ =	swait.ge [sflag:s25], $0x4000  }
0x2f: {  	[sflag:s25] =	ssyncset.done $0x0  }
0x30: {  	[sflag:s25] =	ssyncadd.s32 $0xFFFFC000  }
0x31: {  	_ =	swait.ge [sflag:s19], $0x4000  }
0x32: {  	[sflag:s19] =	ssyncset.done $0x0  }
0x33: {  	[sflag:s19] =	ssyncadd.s32 $0xFFFFC000  }
0x34: {  	_ =	swait.ge [sflag:s25], $0x4000  }
0x35: {  	[sflag:s25] =	ssyncset.done $0x0  }
0x36: {  	s26 =	simm.s32 $0x1;
	[sflag:s25] =	ssyncadd.s32 $0xFFFFC000  }
0x37: {  	_ =	swait.ge [sflag:s26], $0x80  }
0x38: {  	[sflag:s26] =	ssyncset.done $0x0  }
0x39: {  	[sflag:s26] =	ssyncadd.s32 $0xFFFFFF80  }
0x3a: {  	_ =	swait.ge [sflag:s26], $0x80  }
0x3b: {  	[sflag:s26] =	ssyncset.done $0x0  }
0x3c: {  	s29 =	ssub.s32 $0x2, s29;
	[sflag:s26] =	ssyncadd.s32 $0xFFFFFF80  }
0x3d: {  	s31 =	sshrl.u32 s29, $0x1;
	_ =	swait.ge [sflag:s26], $0x80  }
0x3e: {  	s29 =	ssub.s32 s29, s31;
	[sflag:s26] =	ssyncset.done $0x0  }
0x3f: {  	s29 =	smax.u32 s29, $0x1;
	[sflag:s26] =	ssyncadd.s32 $0xFFFFFF80  }
0x40: {  	p0 =	sne.s32 s29, $0x1;
	_ =	swait.ge [sflag:s26], $0x80  }
.Ltmp0:
0x41: {  	[sflag:s26] =	ssyncset.done $0x0;
	(pc) =	sbr.rel @!p0 .LBB2_2-.Ltmp0, $4  }
0x42: {  	s28 =	sadd.s32 s28, s30;
	[sflag:s26] =	ssyncadd.s32 $0xFFFFFF80  }
0x43: {  	[hbm4b:s28+s4] =	stream.linear.scatter [tilespmem:s8], [sflag:$0x7], $0x200, $0x38;
	[tilespmem:$0xC400] =	vst v63  }
0x44: {  	_ =	swait.ge [sflag:s5], $0x200  }
0x45: {  	s29 =	sadd.s32 $0xFFFFFFFF, s29;
	[sflag:s5] =	ssyncset.done $0x0  }
.LBB2_1:
0x46: {  	p0 =	sne.s32 s29, $0x1;
	s29 =	sadd.s32 $0xFFFFFFFF, s29;
	[sflag:s5] =	ssyncadd.s32 $0xFFFFFE00  }
0x47: {  	[tilespmem:s4], [sflag:$0x7] =	stream.linear.gather [hbm4b:s6+s4], $0x200, $0x38;
	[tilespmem:$0xC400] =	vst v63  }
0x48: {  	_ =	swait.ge [sflag:s5], $0x200  }
0x49: {  	[sflag:s5] =	ssyncset.done $0x0  }
0x4a: {  	[sflag:s5] =	ssyncadd.s32 $0xFFFFFE00  }
0x4b: {  	[tilespmem:s8], [sflag:$0x1] =	stream.indirect.gather [hbm4b:s2+s7], $0x1, s4, s7, $0xb8;
	[tilespmem:$0xC400] =	vst v63  }
0x4c: {  	_ = 	snop  }
0x4d: {  	[tilespmem:s9], [sflag:$0x1] =	stream.indirect.gather [hbm4b:s2+s7], $0x1, s7, s7, $0xb8;
	[tilespmem:$0xC400] =	vst v63  }
0x4e: {  	_ = 	snop  }
0x4f: {  	[tilespmem:s11], [sflag:$0x1] =	stream.indirect.gather [hbm4b:s2+s7], $0x1, s10, s7, $0xb8;
	[tilespmem:$0xC400] =	vst v63  }
0x50: {  	_ = 	snop  }
0x51: {  	[tilespmem:s13], [sflag:$0x1] =	stream.indirect.gather [hbm4b:s2+s7], $0x1, s12, s7, $0xb8;
	[tilespmem:$0xC400] =	vst v63  }
0x52: {  	_ = 	snop  }
0x53: {  	[tilespmem:s14], [sflag:$0x2] =	stream.indirect.gather [hbm4b:s1+s7], $0x80, s4, s7, $0xb8;
	[tilespmem:$0xC400] =	vst v63  }
0x54: {  	_ = 	snop  }
0x55: {  	[tilespmem:s15], [sflag:$0x3] =	stream.indirect.gather [hbm4b:s1+s7], $0x80, s7, s7, $0xb8;
	[tilespmem:$0xC400] =	vst v63  }
0x56: {  	_ = 	snop  }
0x57: {  	[tilespmem:s16], [sflag:$0x4] =	stream.indirect.gather [hbm4b:s1+s7], $0x80, s10, s7, $0xb8;
	[tilespmem:$0xC400] =	vst v63  }
0x58: {  	_ =	swait.ge [sflag:s17], $0x4000  }
0x59: {  	[sflag:s17] =	ssyncset.done $0x0  }
0x5a: {  	[sflag:s17] =	ssyncadd.s32 $0xFFFFC000  }
0x5b: {  	[hbm4b:s18+s4] =	stream.linear.scatter [tilespmem:s14], [sflag:$0x5], $0x4000, $0x38;
	[tilespmem:$0xC400] =	vst v63  }
0x5c: {  	_ =	swait.ge [sflag:s19], $0x4000  }
0x5d: {  	[sflag:s19] =	ssyncset.done $0x0  }
0x5e: {  	[sflag:s19] =	ssyncadd.s32 $0xFFFFC000  }
0x5f: {  	[tilespmem:s14], [sflag:$0x2] =	stream.indirect.gather [hbm4b:s1+s7], $0x80, s12, s7, $0xb8;
	[tilespmem:$0xC400] =	vst v63  }
0x60: {  	_ =	swait.ge [sflag:s20], $0x4000  }
0x61: {  	[sflag:s20] =	ssyncset.done $0x0  }
0x62: {  	[sflag:s20] =	ssyncadd.s32 $0xFFFFC000  }
0x63: {  	[hbm4b:s21+s4] =	stream.linear.scatter [tilespmem:s15], [sflag:$0x6], $0x4000, $0x38;
	[tilespmem:$0xC400] =	vst v63  }
0x64: {  	_ =	swait.ge [sflag:s22], $0x4000  }
0x65: {  	[sflag:s22] =	ssyncset.done $0x0  }
0x66: {  	[sflag:s22] =	ssyncadd.s32 $0xFFFFC000  }
0x67: {  	[hbm4b:s23+s4] =	stream.linear.scatter [tilespmem:s16], [sflag:$0x5], $0x4000, $0x38;
	[tilespmem:$0xC400] =	vst v63  }
0x68: {  	_ =	swait.ge [sflag:s17], $0x4000  }
0x69: {  	[sflag:s17] =	ssyncset.done $0x0  }
0x6a: {  	[sflag:s17] =	ssyncadd.s32 $0xFFFFC000  }
0x6b: {  	[hbm4b:s24+s4] =	stream.linear.scatter [tilespmem:s14], [sflag:$0x6], $0x4000, $0x38;
	[tilespmem:$0xC400] =	vst v63  }
0x6c: {  	_ =	swait.ge [sflag:s25], $0x4000  }
0x6d: {  	[sflag:s25] =	ssyncset.done $0x0  }
0x6e: {  	[sflag:s25] =	ssyncadd.s32 $0xFFFFC000  }
0x6f: {  	_ =	swait.ge [sflag:s19], $0x4000  }
0x70: {  	[sflag:s19] =	ssyncset.done $0x0  }
0x71: {  	[sflag:s19] =	ssyncadd.s32 $0xFFFFC000  }
0x72: {  	_ =	swait.ge [sflag:s25], $0x4000  }
0x73: {  	[sflag:s25] =	ssyncset.done $0x0  }
0x74: {  	[sflag:s25] =	ssyncadd.s32 $0xFFFFC000  }
0x75: {  	_ =	swait.ge [sflag:s26], $0x80  }
0x76: {  	[sflag:s26] =	ssyncset.done $0x0  }
0x77: {  	[sflag:s26] =	ssyncadd.s32 $0xFFFFFF80  }
0x78: {  	_ =	swait.ge [sflag:s26], $0x80  }
0x79: {  	[sflag:s26] =	ssyncset.done $0x0  }
0x7a: {  	[sflag:s26] =	ssyncadd.s32 $0xFFFFFF80  }
0x7b: {  	_ =	swait.ge [sflag:s26], $0x80  }
0x7c: {  	[sflag:s26] =	ssyncset.done $0x0  }
0x7d: {  	[sflag:s26] =	ssyncadd.s32 $0xFFFFFF80  }
0x7e: {  	_ =	swait.ge [sflag:s26], $0x80  }
.Ltmp1:
0x7f: {  	[sflag:s26] =	ssyncset.done $0x0;
	(pc) =	sbr.rel @p0 .LBB2_1-.Ltmp1, $4  }
0x80: {  	[sflag:s26] =	ssyncadd.s32 $0xFFFFFF80  }
0x81: {  	[hbm4b:s28+s4] =	stream.linear.scatter [tilespmem:s8], [sflag:$0x7], $0x200, $0x38;
	[tilespmem:$0xC400] =	vst v63  }
0x82: {  	_ =	swait.ge [sflag:s5], $0x200  }
0x83: {  	[sflag:s5] =	ssyncset.done $0x0  }
.LBB2_2:
0x84: {  	[sflag:s5] =	ssyncadd.s32 $0xFFFFFE00  }
0x85: {  	_ =	sfence.sel $0x180000  }
0x86: {  	[bflag:$0x0] =	sbarrier.arrive $0xFFFF  }
0x87: {  	p0 =	sne.s32 s0, $0x0;
	_ =	strace $0x9000004A  }
0x88: {  	s0 =	sadd.s32 @!p0 $0x100000, s3;
	[bflag:$0x2] =	sbarrier.arrive $0xFFFF  }
0x89: {  	[sflag:s0] =	ssyncadd.tile.s32 @!p0 $0x1;
	_ =	shalt  }
.Lfunc_end2:
_tile_overlayer_lowered:
.L_overlay_start_2:
0x8a: {  	(tag) =	ssettag $0x2  }
0x8b: {  	s0 =	rddreg [dreg:$0x0];
	s2 =	stileid.u32  }
0x8c: {  	s1 =	rddreg [dreg:$0x1];
	p0 =	sne.s32 s2, $0x0  }
0x8d: {  	s3 =	rddreg [dreg:$0x2];
	[bflag:$0x3] =	sbarrier.arrive $0xFFFF;
	s2 =	simm.s32 @!p0 $0x1C07  }
0x8e: {  	[timem:s3], [sflag:s2] =	dma.local @!p0 [hbm:s0], s1  }
0x8f: {  	s0 =	simm.s32 @!p0 $0x7  }
0x90: {  	_ =	swait.ge @!p0 [sflag:s0], s1  }
0x91: {  	s1 =	ssub.s32 @!p0 $0x0, s1;
	[sflag:s0] =	ssyncset.done @!p0 $0x0  }
0x92: {  	[sflag:s0] =	ssyncadd.s32 @!p0 s1  }
0x93: {  	[bflag:$0x3] =	sbarrier.arrive $0xFFFF  }
0x94: {  	_ =	shalt  }

// kernel: kernel.14.cloned.1.call-start
scs
__scs_entry_jumppad:
0x0: {  	(pc) =	sbr.rel $0x88, $3  }
0x1: {  	(tag) =	ssettag $0x0;
	lr =	simm.s32 $0x1  }
0x2: {  	[smem:$0x3F96] =	sst lr;
	_ =	strace $0xD0000000  }
0x3: {  	_ = 	snop  }
0x4: {  	_ = 	snop  }
0x5: {  	_ = 	snop  }
0x6: {  	_ = 	snop  }
0x7: {  	_ = 	snop  }
__scs_overlays_trampoline_lowered:
0x8: {  	[smem:$0x3FA5] =	sst s0  }
0x9: {  	[smem:$0x3FA6] =	sst s1  }
0xa: {  	[smem:$0x3FA7] =	sst s2  }
0xb: {  	[smem:$0x3FA8] =	sst s3  }
0xc: {  	[smem:$0x3FA9] =	sst s4  }
0xd: {  	[smem:$0x3FAA] =	sst s5  }
0xe: {  	[smem:$0x3FAB] =	sst s6  }
0xf: {  	[smem:$0x3FAC] =	sst s7  }
0x10: {  	[smem:$0x3FAD] =	sst s8  }
0x11: {  	[smem:$0x3FAE] =	sst s9;
	s0 =	simm.s32 @!p0 $0x0  }
0x12: {  	s1 =	sld [smem:$0x3F94];
	s0 =	simm.s32 @p0 $0x1  }
0x13: {  	[smem:$0x3FAF] =	sst s0;
	s0 =	simm.s32 @!p1 $0x0  }
0x14: {  	s2 =	sld [smem:$0x3F93];
	s0 =	simm.s32 @p1 $0x1  }
0x15: {  	[smem:$0x3FB0] =	sst s0;
	s0 =	simm.s32 @!p2 $0x0  }
0x16: {  	s3 =	sld [smem:$0x3FDB];
	s0 =	simm.s32 @p2 $0x1  }
0x17: {  	s4 =	simm.s32 $0x1BF5;
	[smem:$0x3FB2] =	sst s0  }
0x18: {  	s0 =	sld [smem:$0x3F95];
	_ =	swait.ge [sflag:s4], $0x0  }
0x19: {  	s7 =	sld [smem:$0x3F96]  }
0x1a: {  	s8 =	sadd.s32 $0xFFFFE003, lr  }
0x1b: {  	s9 =	sadd.s32 $0xFFFFFEF7, lr;
	s5 =	simm.s32 $0xFFFFFFFF;
	p2 =	slt.u32 s8, $0xFFFFF086  }
0x1c: {  	p1 =	slt.u32 s9, $0xF7A;
	s5 =	simm.s32 @!p2 $0x0  }
0x1d: {  	s5 =	simm.s32 @p1 $0x1;
	p0 =	seq.s32 s7, s2  }
0x1e: {  	s7 =	smul.u32 @!p0 $0xF7A, s2;
	p2 =	seq.s32 @!p0 s5, $0x0  }
0x1f: {  	s9 =	smul.u32 $0xF7A, s1;
	s8 =	simm.s32 @!p0 $0x1BF5;
	p2 =	por !p2, p0  }
0x20: {  	[sflag:s8] =	ssyncset.s32 @!p0 $0xFFFFF086;
	s6 =	sadd.s32 @!p0 s3, s7;
	s7 =	simm.s32 @!p0 $0x108  }
0x21: {  	s3 =	sadd.s32 s3, s9;
	s6 =	sadd.s32 @!p0 $0x88, s6;
	s7 =	simm.s32 @p2 $0x1082  }
0x22: {  	[simem:s7], [sflag:s8] =	dma.local @!p0 [hbm:s6], $0xF7A  }
0x23: {  	s9 =	sor.u32 $0xD0000000, s2;
	s6 =	simm.s32 $0x108;
	_ =	swait.ge @!p0 [sflag:s8], $0x0  }
0x24: {  	s3 =	sadd.s32 $0x88, s3;
	s6 =	simm.s32 @!p1 $0x1082;
	[sflag:s4] =	ssyncset.s32 $0xFFFFF086  }
0x25: {  	[simem:s6], [sflag:s4] =	dma.local [hbm:s3], $0xF7A  }
0x26: {  	[smem:$0x3F96] =	sst s1;
	(tag) =	ssettag s2;
	_ =	strace s9  }
0x27: {  	s1 =	sld [smem:$0x3FA6]  }
0x28: {  	s2 =	sld [smem:$0x3FA7]  }
0x29: {  	s4 =	sld [smem:$0x3FA9]  }
0x2a: {  	p0 =	seq.s32 s5, $0x0;
	s5 =	sld [smem:$0x3FAA]  }
0x2b: {  	s6 =	sld [smem:$0x3FAB]  }
0x2c: {  	s7 =	sld [smem:$0x3FAC]  }
0x2d: {  	s3 =	simm.s32 $0x108;
	s8 =	sld [smem:$0x3FAD]  }
0x2e: {  	s3 =	simm.s32 @!p0 $0x1082;
	s9 =	sld [smem:$0x3FAE]  }
0x2f: {  	lr =	sadd.s32 s0, s3;
	s0 =	sld [smem:$0x3FA5]  }
0x30: {  	s3 =	sld [smem:$0x3FA8]  }
0x31: {  	[smem:$0x3FB1] =	sst s10  }
0x32: {  	s10 =	sld [smem:$0x3FAF];
	_ =	sdelay $0x3  }
0x33: {  	p0 =	seq.s32 s10, $0x1;
	s10 =	sld [smem:$0x3FB1];
	_ =	sdelay $0x3  }
0x34: {  	[smem:$0x3FB1] =	sst s10  }
0x35: {  	s10 =	sld [smem:$0x3FB0];
	_ =	sdelay $0x3  }
0x36: {  	p1 =	seq.s32 s10, $0x1;
	s10 =	sld [smem:$0x3FB1];
	_ =	sdelay $0x3  }
0x37: {  	[smem:$0x3FB1] =	sst s10  }
0x38: {  	s10 =	sld [smem:$0x3FB2]  }
0x39: {  	_ = 	snop;
	(pc) =	sbr.ind lr, $3  }
0x3a: {  	_ = 	snop  }
0x3b: {  	_ = 	snop  }
0x3c: {  	p2 =	seq.s32 s10, $0x1;
	s10 =	sld [smem:$0x3FB1]  }
0x3d: {  	_ =	shalt  }
0x3e: {  	_ =	shalt  }
0x3f: {  	_ =	shalt  }
0x40: {  	_ =	shalt  }
0x41: {  	_ =	shalt  }
0x42: {  	_ =	shalt  }
0x43: {  	_ =	shalt  }
0x44: {  	_ =	shalt  }
0x45: {  	_ =	shalt  }
0x46: {  	_ =	shalt  }
0x47: {  	_ =	shalt  }
0x48: {  	_ =	shalt  }
0x49: {  	_ =	shalt  }
0x4a: {  	_ =	shalt  }
0x4b: {  	_ =	shalt  }
0x4c: {  	_ =	shalt  }
0x4d: {  	_ =	shalt  }
0x4e: {  	_ =	shalt  }
0x4f: {  	_ =	shalt  }
0x50: {  	_ =	shalt  }
0x51: {  	_ =	shalt  }
0x52: {  	_ =	shalt  }
0x53: {  	_ =	shalt  }
0x54: {  	_ =	shalt  }
0x55: {  	_ =	shalt  }
0x56: {  	_ =	shalt  }
0x57: {  	_ =	shalt  }
0x58: {  	_ =	shalt  }
0x59: {  	_ =	shalt  }
0x5a: {  	_ =	shalt  }
0x5b: {  	_ =	shalt  }
0x5c: {  	_ =	shalt  }
0x5d: {  	_ =	shalt  }
0x5e: {  	_ =	shalt  }
0x5f: {  	_ =	shalt  }
0x60: {  	_ =	shalt  }
0x61: {  	_ =	shalt  }
0x62: {  	_ =	shalt  }
0x63: {  	_ =	shalt  }
0x64: {  	_ =	shalt  }
0x65: {  	_ =	shalt  }
0x66: {  	_ =	shalt  }
0x67: {  	_ =	shalt  }
0x68: {  	_ =	shalt  }
0x69: {  	_ =	shalt  }
0x6a: {  	_ =	shalt  }
0x6b: {  	_ =	shalt  }
0x6c: {  	_ =	shalt  }
0x6d: {  	_ =	shalt  }
0x6e: {  	_ =	shalt  }
0x6f: {  	_ =	shalt  }
0x70: {  	_ =	shalt  }
0x71: {  	_ =	shalt  }
0x72: {  	_ =	shalt  }
0x73: {  	_ =	shalt  }
0x74: {  	_ =	shalt  }
0x75: {  	_ =	shalt  }
0x76: {  	_ =	shalt  }
0x77: {  	_ =	shalt  }
0x78: {  	_ =	shalt  }
0x79: {  	_ =	shalt  }
0x7a: {  	_ =	shalt  }
0x7b: {  	_ =	shalt  }
0x7c: {  	_ =	shalt  }
0x7d: {  	_ =	shalt  }
0x7e: {  	_ =	shalt  }
0x7f: {  	_ =	shalt  }
0x80: {  	_ =	shalt  }
0x81: {  	_ =	shalt  }
0x82: {  	_ =	shalt  }
0x83: {  	_ =	shalt  }
0x84: {  	_ =	shalt  }
0x85: {  	_ =	shalt  }
0x86: {  	_ =	shalt  }
0x87: {  	_ =	shalt  }
.Lfunc_end0:
.L_simem_size_0:
called_computation.2_lowered:
.L_overlay_start_0:
0x88: {  	s2 =	sld [smem:$0x3FD9]  }
0x89: {  	s3 =	sld [smem:$0x3FFE];
	_ =	sdelay $0x1  }
0x8a: {  	s1 =	srdreg.scid  }
0x8b: {  	s0 =	sand.u32 $0x1, s1  }
0x8c: {  	s15 =	sshll.u32 s0, $0xA;
	s2 =	sadd.s32 s3, s2  }
0x8d: {  	s2 =	sadd.s32 s2, s15  }
0x8e: {  	[smem:$0x3FBD] =	sst s2  }
0x8f: {  	_ = 	snop  }
0x90: {  	s16 =	sld [smem:$0x3FD0]  }
0x91: {  	s2 =	sld [smem:$0x3FC7]  }
0x92: {  	s4 =	sld [smem:$0x3FC5]  }
0x93: {  	s6 =	simm.s32 $0xC;
	s7 =	simm.s32 $0x10;
	s5 =	sld [smem:$0x3FC4]  }
0x94: {  	[smem:s7], [sflag:s6] =	dma.local [hbm:s16], $0x1  }
0x95: {  	_ =	swait.eq [sflag:s6], $0x1  }
0x96: {  	[sflag:s6] =	ssyncset.done $0x0  }
0x97: {  	[sflag:s6] =	ssyncadd.s32 $0xFFFFFFFF  }
0x98: {  	s17 =	sld [smem:$0x12];
	(tm) =	ssettm $0x1  }
0x99: {  	s18 =	sld [smem:$0x3FFB];
	_ =	sdelay $0x3  }
0x9a: {  	_ =	strace s18  }
0x9b: {  	s3 =	sld [smem:$0x3FFC];
	_ =	sdelay $0x3  }
0x9c: {  	_ =	strace s3  }
0x9d: {  	s3 =	sld [smem:$0x3FFD];
	_ =	sdelay $0x3  }
0x9e: {  	_ =	strace s3  }
0x9f: {  	_ =	strace $0x8FFFFFFF  }
0xa0: {  	s19 =	sld [smem:$0x3FDB];
	_ =	sdelay $0x1  }
0xa1: {  	s20 =	simm.s32 $_scs_section_size  }
0xa2: {  	s8 =	simm.s32 $_size__tile_overlayer_lowered;
	s9 =	simm.s32 $_tile_overlayer_lowered  }
0xa3: {  	s10 =	simm.s32 $0x1BFF;
	s21 =	sshll.u32 s9, $0x1;
	s7 =	sadd.s32 s20, s19  }
0xa4: {  	s22 =	simm.s32 $0x0;
	s8 =	sshll.u32 s8, $0x1;
	s9 =	sadd.s32 s21, s7  }
0xa5: {  	[timem:s22], [sflag:s10] =	dma.local [hbm:s9], s8  }
0xa6: {  	_ =	swait.ge [sflag:s10], s8  }
0xa7: {  	s8 =	ssub.s32 $0x0, s8;
	[sflag:s10] =	ssyncset.done $0x0  }
0xa8: {  	[sflag:s10] =	ssyncadd.s32 s8;
	_ =	sdelay $0x1  }
0xa9: {  	s23 =	simm.s32 $0x1B8B  }
0xaa: {  	_ =	swait.ge [sflag:s23], $0x1  }
0xab: {  	[sflag:s23] =	ssyncset.done $0x0  }
0xac: {  	[sflag:s23] =	ssyncadd.s32 $0xFFFFFFFF  }
0xad: {  	s8 =	sld [smem:$0x0]  }
0xae: {  	s9 =	sand.u32 $0xFFFFFFFE, s1  }
0xaf: {  	p0 =	sne.s32 s1, s9  }
0xb0: {  	s9 =	sshll.u32 @p0 s9, $0xE  }
0xb1: {  	s9 =	sadd.s32 @p0 $0x11B8D, s9;
	s10 =	sshll.u32 @p0 s8, $0x11  }
0xb2: {  	s9 =	sor.u32 @p0 s10, s9  }
0xb3: {  	[sflag:s9] =	ssyncadd.remote.s32 @p0 $0x1;
	_ =	sdelay $0x1  }
0xb4: {  	s9 =	simm.s32 @p0 $0x1B8D  }
0xb5: {  	_ =	swait.eq @p0 [sflag:s9], $0x1  }
0xb6: {  	[sflag:s9] =	ssyncadd.s32 @p0 $0xFFFFFFFF  }
0xb7: {  	s10 =	sshll.u32 @!p0 s1, $0xE  }
0xb8: {  	s10 =	sor.u32 @!p0 $0x4000, s10;
	s9 =	simm.s32 @!p0 $0x1B8D  }
0xb9: {  	s8 =	sshll.u32 @!p0 s8, $0x11;
	s10 =	sadd.s32 @!p0 $0x11B8D, s10;
	_ =	swait.eq @!p0 [sflag:s9], $0x1  }
0xba: {  	s8 =	sor.u32 @!p0 s8, s10;
	[sflag:s9] =	ssyncadd.s32 @!p0 $0xFFFFFFFF  }
0xbb: {  	s25 =	simm.s32 $0x1B8E;
	s24 =	sld [smem:$0x3FFE];
	[sflag:s8] =	ssyncadd.remote.s32 @!p0 $0x1  }
0xbc: {  	s26 =	simm.s32 $execute0_lowered;
	[smem:$0x3FD2] =	sst s25  }
0xbd: {  	s9 =	sshll.u32 s26, $0x1;
	_ =	strace $0x8000004C;
	[dreg:$0x1] =	wrdreg $0xFFFFFFFF  }
0xbe: {  	s28 =	simm.s32 $_size_execute0_lowered;
	s7 =	sadd.s32 s7, s9;
	[dreg:$0x0] =	wrdreg $0x0  }
0xbf: {  	s9 =	sshll.u32 s28, $0x1;
	[dreg:$0x2] =	wrdreg s7  }
0xc0: {  	[dreg:$0x3] =	wrdreg s9  }
0xc1: {  	[dreg:$0x4] =	wrdreg $0xC0  }
0xc2: {  	_ =	task [dreg:s22], $0x5FFFF  }
0xc3: {  	[dreg:$0x1] =	wrdreg $0xFFFFFFFF  }
0xc4: {  	[dreg:$0x0] =	wrdreg $0x60  }
0xc5: {  	[dreg:$0x2] =	wrdreg s4  }
0xc6: {  	[dreg:$0x3] =	wrdreg s5  }
0xc7: {  	[dreg:$0x4] =	wrdreg s2  }
0xc8: {  	[dreg:$0x5] =	wrdreg s24  }
0xc9: {  	[dreg:$0x6] =	wrdreg s17  }
0xca: {  	[dreg:$0x7] =	wrdreg $0xB  }
0xcb: {  	_ =	task.clear_ibuf [dreg:s22], $0x8FFFF;
	_ =	strace $0x9000004C  }
0xcc: {  	s29 =	simm.s32 $0xB;
	_ =	strace $0x8000004E  }
0xcd: {  	_ =	swait.ge [sflag:s29], $0x1  }
0xce: {  	[sflag:s29] =	ssyncadd.s32 $0xFFFFFFFF  }
0xcf: {  	_ =	strace $0x9000004E  }
0xd0: {  	_ =	sfence  }
0xd1: {  	s30 =	sld [smem:$0x0];
	_ =	sdelay $0x2  }
0xd2: {  	s31 =	sshll.u32 s1, $0xD;
	s1 =	sshrl.u32 s1, $0x2  }
0xd3: {  	s4 =	sand.u32 $0x4000, s31;
	s1 =	sadd.s32 s1, s30  }
0xd4: {  	s0 =	sor.u32 s4, s0;
	s1 =	sshll.u32 s1, $0x11  }
0xd5: {  	s0 =	sor.u32 s1, s0  }
0xd6: {  	s0 =	sadd.s32 $0x8F2B, s0  }
0xd7: {  	[sflag:s0] =	ssyncadd.remote.s32 $0x1  }
0xd8: {  	_ =	sfence.sel $0xFFFF  }
0xd9: {  	[dreg:$0x0] =	wrdreg $0xFFFFFFFF;
	(pc) =	sbr.abs _section_cstart, $3  }
0xda: {  	[dreg:$0x1] =	wrdreg $0xFFFFFFFF  }
0xdb: {  	_ =	task.clear_ibuf [dreg:s22], $0x2FFFF;
	_ =	strace $0x9FFFFFFF  }
0xdc: {  	(tm) =	ssettm $0x7FFFFFFF  }
0xdd: {  	_ =	shalt  }
tec
execute0_lowered:
.L_overlay_start_1:
0x0: {  	(tag) =	ssettag $0x1  }
0x1: {  	s1 =	rddreg [dreg:$0x0]  }
0x2: {  	s2 =	rddreg [dreg:$0x1]  }
0x3: {  	s5 =	rddreg [dreg:$0x2];
	s3 =	srdreg.scid  }
0x4: {  	s18 =	rddreg [dreg:$0x3];
	s0 =	stileid.u32;
	s29 =	sand.u32 $0x1, s3  }
0x5: {  	s28 =	rddreg [dreg:$0x4];
	s6 =	sshll.u32 s0, $0xA;
	s7 =	sshll.u32 s29, $0x9  }
0x6: {  	s4 =	simm.s32 $0x0;
	s3 =	rddreg [dreg:$0x5];
	s19 =	sor.u32 s7, s6  }
0x7: {  	[smem:$0x7FF] =	sst s4;
	s30 =	sshrl.u32 s19, $0x3  }
0x8: {  	_ =	strace $0x8000004D;
	s6 =	sadd.s32 s5, s30;
	s5 =	simm.s32 $0x7  }
0x9: {  	[tilespmem:s4], [sflag:$0x7] =	stream.linear.gather [hbm4b:s6+s4], $0x200, $0x38;
	[tilespmem:$0xC400] =	vst v63  }
0xa: {  	_ =	swait.ge [sflag:s5], $0x200  }
0xb: {  	[sflag:s5] =	ssyncset.done $0x0  }
0xc: {  	s8 =	simm.s32 $0xC200;
	s7 =	simm.s32 $0x80;
	[sflag:s5] =	ssyncadd.s32 $0xFFFFFE00  }
0xd: {  	[tilespmem:s8], [sflag:$0x1] =	stream.indirect.gather [hbm4b:s2+s7], $0x1, s4, s7, $0xb8;
	[tilespmem:$0xC400] =	vst v63  }
0xe: {  	s9 =	simm.s32 $0xC280  }
0xf: {  	[tilespmem:s9], [sflag:$0x1] =	stream.indirect.gather [hbm4b:s2+s7], $0x1, s7, s7, $0xb8;
	[tilespmem:$0xC400] =	vst v63  }
0x10: {  	s10 =	simm.s32 $0x100;
	s11 =	simm.s32 $0xC300  }
0x11: {  	[tilespmem:s11], [sflag:$0x1] =	stream.indirect.gather [hbm4b:s2+s7], $0x1, s10, s7, $0xb8;
	[tilespmem:$0xC400] =	vst v63  }
0x12: {  	s12 =	simm.s32 $0x180;
	s13 =	simm.s32 $0xC380  }
0x13: {  	[tilespmem:s13], [sflag:$0x1] =	stream.indirect.gather [hbm4b:s2+s7], $0x1, s12, s7, $0xb8;
	[tilespmem:$0xC400] =	vst v63  }
0x14: {  	s14 =	simm.s32 $0x200  }
0x15: {  	[tilespmem:s14], [sflag:$0x2] =	stream.indirect.gather [hbm4b:s1+s7], $0x80, s4, s7, $0xb8;
	[tilespmem:$0xC400] =	vst v63  }
0x16: {  	s15 =	simm.s32 $0x4200  }
0x17: {  	[tilespmem:s15], [sflag:$0x3] =	stream.indirect.gather [hbm4b:s1+s7], $0x80, s7, s7, $0xb8;
	[tilespmem:$0xC400] =	vst v63  }
0x18: {  	s16 =	simm.s32 $0x8200;
	s17 =	simm.s32 $0x2  }
0x19: {  	[tilespmem:s16], [sflag:$0x4] =	stream.indirect.gather [hbm4b:s1+s7], $0x80, s10, s7, $0xb8;
	[tilespmem:$0xC400] =	vst v63  }
0x1a: {  	s19 =	sshll.u32 s19, $0x4;
	_ =	swait.ge [sflag:s17], $0x4000  }
0x1b: {  	s24 =	sadd.s32 s19, s18;
	[sflag:s17] =	ssyncset.done $0x0  }
0x1c: {  	s19 =	simm.s32 $0x5;
	s18 =	sadd.s32 $0x82E00, s24;
	[sflag:s17] =	ssyncadd.s32 $0xFFFFC000  }
0x1d: {  	[hbm4b:s18+s4] =	stream.linear.scatter [tilespmem:s14], [sflag:$0x5], $0x4000, $0x38;
	[tilespmem:$0xC400] =	vst v63  }
0x1e: {  	_ =	swait.ge [sflag:s19], $0x4000  }
0x1f: {  	[sflag:s19] =	ssyncset.done $0x0  }
0x20: {  	s20 =	simm.s32 $0x3;
	[sflag:s19] =	ssyncadd.s32 $0xFFFFC000  }
0x21: {  	[tilespmem:s14], [sflag:$0x2] =	stream.indirect.gather [hbm4b:s1+s7], $0x80, s12, s7, $0xb8;
	[tilespmem:$0xC400] =	vst v63  }
0x22: {  	_ =	swait.ge [sflag:s20], $0x4000  }
0x23: {  	[sflag:s20] =	ssyncset.done $0x0  }
0x24: {  	s22 =	simm.s32 $0x4;
	s21 =	sadd.s32 $0x83600, s24;
	[sflag:s20] =	ssyncadd.s32 $0xFFFFC000  }
0x25: {  	[hbm4b:s21+s4] =	stream.linear.scatter [tilespmem:s15], [sflag:$0x6], $0x4000, $0x38;
	[tilespmem:$0xC400] =	vst v63  }
0x26: {  	_ =	swait.ge [sflag:s22], $0x4000  }
0x27: {  	[sflag:s22] =	ssyncset.done $0x0  }
0x28: {  	s23 =	sadd.s32 $0x83E00, s24;
	[sflag:s22] =	ssyncadd.s32 $0xFFFFC000  }
0x29: {  	[hbm4b:s23+s4] =	stream.linear.scatter [tilespmem:s16], [sflag:$0x5], $0x4000, $0x38;
	[tilespmem:$0xC400] =	vst v63  }
0x2a: {  	_ =	swait.ge [sflag:s17], $0x4000  }
0x2b: {  	[sflag:s17] =	ssyncset.done $0x0  }
0x2c: {  	s25 =	simm.s32 $0x6;
	s24 =	sadd.s32 $0x84600, s24;
	[sflag:s17] =	ssyncadd.s32 $0xFFFFC000  }
0x2d: {  	[hbm4b:s24+s4] =	stream.linear.scatter [tilespmem:s14], [sflag:$0x6], $0x4000, $0x38;
	[tilespmem:$0xC400] =	vst v63  }
0x2e: {  	_ =	swait.ge [sflag:s25], $0x4000  }
0x2f: {  	[sflag:s25] =	ssyncset.done $0x0  }
0x30: {  	[sflag:s25] =	ssyncadd.s32 $0xFFFFC000  }
0x31: {  	_ =	swait.ge [sflag:s19], $0x4000  }
0x32: {  	[sflag:s19] =	ssyncset.done $0x0  }
0x33: {  	[sflag:s19] =	ssyncadd.s32 $0xFFFFC000  }
0x34: {  	_ =	swait.ge [sflag:s25], $0x4000  }
0x35: {  	[sflag:s25] =	ssyncset.done $0x0  }
0x36: {  	s26 =	simm.s32 $0x1;
	[sflag:s25] =	ssyncadd.s32 $0xFFFFC000  }
0x37: {  	_ =	swait.ge [sflag:s26], $0x80  }
0x38: {  	[sflag:s26] =	ssyncset.done $0x0  }
0x39: {  	[sflag:s26] =	ssyncadd.s32 $0xFFFFFF80  }
0x3a: {  	_ =	swait.ge [sflag:s26], $0x80  }
0x3b: {  	[sflag:s26] =	ssyncset.done $0x0  }
0x3c: {  	s29 =	ssub.s32 $0x2, s29;
	[sflag:s26] =	ssyncadd.s32 $0xFFFFFF80  }
0x3d: {  	s31 =	sshrl.u32 s29, $0x1;
	_ =	swait.ge [sflag:s26], $0x80  }
0x3e: {  	s29 =	ssub.s32 s29, s31;
	[sflag:s26] =	ssyncset.done $0x0  }
0x3f: {  	s29 =	smax.u32 s29, $0x1;
	[sflag:s26] =	ssyncadd.s32 $0xFFFFFF80  }
0x40: {  	p0 =	sne.s32 s29, $0x1;
	_ =	swait.ge [sflag:s26], $0x80  }
.Ltmp0:
0x41: {  	[sflag:s26] =	ssyncset.done $0x0;
	(pc) =	sbr.rel @!p0 .LBB2_2-.Ltmp0, $4  }
0x42: {  	s28 =	sadd.s32 s28, s30;
	[sflag:s26] =	ssyncadd.s32 $0xFFFFFF80  }
0x43: {  	[hbm4b:s28+s4] =	stream.linear.scatter [tilespmem:s8], [sflag:$0x7], $0x200, $0x38;
	[tilespmem:$0xC400] =	vst v63  }
0x44: {  	_ =	swait.ge [sflag:s5], $0x200  }
0x45: {  	s29 =	sadd.s32 $0xFFFFFFFF, s29;
	[sflag:s5] =	ssyncset.done $0x0  }
.LBB2_1:
0x46: {  	p0 =	sne.s32 s29, $0x1;
	s29 =	sadd.s32 $0xFFFFFFFF, s29;
	[sflag:s5] =	ssyncadd.s32 $0xFFFFFE00  }
0x47: {  	[tilespmem:s4], [sflag:$0x7] =	stream.linear.gather [hbm4b:s6+s4], $0x200, $0x38;
	[tilespmem:$0xC400] =	vst v63  }
0x48: {  	_ =	swait.ge [sflag:s5], $0x200  }
0x49: {  	[sflag:s5] =	ssyncset.done $0x0  }
0x4a: {  	[sflag:s5] =	ssyncadd.s32 $0xFFFFFE00  }
0x4b: {  	[tilespmem:s8], [sflag:$0x1] =	stream.indirect.gather [hbm4b:s2+s7], $0x1, s4, s7, $0xb8;
	[tilespmem:$0xC400] =	vst v63  }
0x4c: {  	_ = 	snop  }
0x4d: {  	[tilespmem:s9], [sflag:$0x1] =	stream.indirect.gather [hbm4b:s2+s7], $0x1, s7, s7, $0xb8;
	[tilespmem:$0xC400] =	vst v63  }
0x4e: {  	_ = 	snop  }
0x4f: {  	[tilespmem:s11], [sflag:$0x1] =	stream.indirect.gather [hbm4b:s2+s7], $0x1, s10, s7, $0xb8;
	[tilespmem:$0xC400] =	vst v63  }
0x50: {  	_ = 	snop  }
0x51: {  	[tilespmem:s13], [sflag:$0x1] =	stream.indirect.gather [hbm4b:s2+s7], $0x1, s12, s7, $0xb8;
	[tilespmem:$0xC400] =	vst v63  }
0x52: {  	_ = 	snop  }
0x53: {  	[tilespmem:s14], [sflag:$0x2] =	stream.indirect.gather [hbm4b:s1+s7], $0x80, s4, s7, $0xb8;
	[tilespmem:$0xC400] =	vst v63  }
0x54: {  	_ = 	snop  }
0x55: {  	[tilespmem:s15], [sflag:$0x3] =	stream.indirect.gather [hbm4b:s1+s7], $0x80, s7, s7, $0xb8;
	[tilespmem:$0xC400] =	vst v63  }
0x56: {  	_ = 	snop  }
0x57: {  	[tilespmem:s16], [sflag:$0x4] =	stream.indirect.gather [hbm4b:s1+s7], $0x80, s10, s7, $0xb8;
	[tilespmem:$0xC400] =	vst v63  }
0x58: {  	_ =	swait.ge [sflag:s17], $0x4000  }
0x59: {  	[sflag:s17] =	ssyncset.done $0x0  }
0x5a: {  	[sflag:s17] =	ssyncadd.s32 $0xFFFFC000  }
0x5b: {  	[hbm4b:s18+s4] =	stream.linear.scatter [tilespmem:s14], [sflag:$0x5], $0x4000, $0x38;
	[tilespmem:$0xC400] =	vst v63  }
0x5c: {  	_ =	swait.ge [sflag:s19], $0x4000  }
0x5d: {  	[sflag:s19] =	ssyncset.done $0x0  }
0x5e: {  	[sflag:s19] =	ssyncadd.s32 $0xFFFFC000  }
0x5f: {  	[tilespmem:s14], [sflag:$0x2] =	stream.indirect.gather [hbm4b:s1+s7], $0x80, s12, s7, $0xb8;
	[tilespmem:$0xC400] =	vst v63  }
0x60: {  	_ =	swait.ge [sflag:s20], $0x4000  }
0x61: {  	[sflag:s20] =	ssyncset.done $0x0  }
0x62: {  	[sflag:s20] =	ssyncadd.s32 $0xFFFFC000  }
0x63: {  	[hbm4b:s21+s4] =	stream.linear.scatter [tilespmem:s15], [sflag:$0x6], $0x4000, $0x38;
	[tilespmem:$0xC400] =	vst v63  }
0x64: {  	_ =	swait.ge [sflag:s22], $0x4000  }
0x65: {  	[sflag:s22] =	ssyncset.done $0x0  }
0x66: {  	[sflag:s22] =	ssyncadd.s32 $0xFFFFC000  }
0x67: {  	[hbm4b:s23+s4] =	stream.linear.scatter [tilespmem:s16], [sflag:$0x5], $0x4000, $0x38;
	[tilespmem:$0xC400] =	vst v63  }
0x68: {  	_ =	swait.ge [sflag:s17], $0x4000  }
0x69: {  	[sflag:s17] =	ssyncset.done $0x0  }
0x6a: {  	[sflag:s17] =	ssyncadd.s32 $0xFFFFC000  }
0x6b: {  	[hbm4b:s24+s4] =	stream.linear.scatter [tilespmem:s14], [sflag:$0x6], $0x4000, $0x38;
	[tilespmem:$0xC400] =	vst v63  }
0x6c: {  	_ =	swait.ge [sflag:s25], $0x4000  }
0x6d: {  	[sflag:s25] =	ssyncset.done $0x0  }
0x6e: {  	[sflag:s25] =	ssyncadd.s32 $0xFFFFC000  }
0x6f: {  	_ =	swait.ge [sflag:s19], $0x4000  }
0x70: {  	[sflag:s19] =	ssyncset.done $0x0  }
0x71: {  	[sflag:s19] =	ssyncadd.s32 $0xFFFFC000  }
0x72: {  	_ =	swait.ge [sflag:s25], $0x4000  }
0x73: {  	[sflag:s25] =	ssyncset.done $0x0  }
0x74: {  	[sflag:s25] =	ssyncadd.s32 $0xFFFFC000  }
0x75: {  	_ =	swait.ge [sflag:s26], $0x80  }
0x76: {  	[sflag:s26] =	ssyncset.done $0x0  }
0x77: {  	[sflag:s26] =	ssyncadd.s32 $0xFFFFFF80  }
0x78: {  	_ =	swait.ge [sflag:s26], $0x80  }
0x79: {  	[sflag:s26] =	ssyncset.done $0x0  }
0x7a: {  	[sflag:s26] =	ssyncadd.s32 $0xFFFFFF80  }
0x7b: {  	_ =	swait.ge [sflag:s26], $0x80  }
0x7c: {  	[sflag:s26] =	ssyncset.done $0x0  }
0x7d: {  	[sflag:s26] =	ssyncadd.s32 $0xFFFFFF80  }
0x7e: {  	_ =	swait.ge [sflag:s26], $0x80  }
.Ltmp1:
0x7f: {  	[sflag:s26] =	ssyncset.done $0x0;
	(pc) =	sbr.rel @p0 .LBB2_1-.Ltmp1, $4  }
0x80: {  	[sflag:s26] =	ssyncadd.s32 $0xFFFFFF80  }
0x81: {  	[hbm4b:s28+s4] =	stream.linear.scatter [tilespmem:s8], [sflag:$0x7], $0x200, $0x38;
	[tilespmem:$0xC400] =	vst v63  }
0x82: {  	_ =	swait.ge [sflag:s5], $0x200  }
0x83: {  	[sflag:s5] =	ssyncset.done $0x0  }
.LBB2_2:
0x84: {  	[sflag:s5] =	ssyncadd.s32 $0xFFFFFE00  }
0x85: {  	_ =	sfence.sel $0x180000  }
0x86: {  	[bflag:$0x0] =	sbarrier.arrive $0xFFFF  }
0x87: {  	p0 =	sne.s32 s0, $0x0;
	_ =	strace $0x9000004D  }
0x88: {  	s0 =	sadd.s32 @!p0 $0x100000, s3;
	[bflag:$0x2] =	sbarrier.arrive $0xFFFF  }
0x89: {  	[sflag:s0] =	ssyncadd.tile.s32 @!p0 $0x1;
	_ =	shalt  }
.Lfunc_end2:
_tile_overlayer_lowered:
.L_overlay_start_2:
0x8a: {  	(tag) =	ssettag $0x2  }
0x8b: {  	s0 =	rddreg [dreg:$0x0];
	s2 =	stileid.u32  }
0x8c: {  	s1 =	rddreg [dreg:$0x1];
	p0 =	sne.s32 s2, $0x0  }
0x8d: {  	s3 =	rddreg [dreg:$0x2];
	[bflag:$0x3] =	sbarrier.arrive $0xFFFF;
	s2 =	simm.s32 @!p0 $0x1C07  }
0x8e: {  	[timem:s3], [sflag:s2] =	dma.local @!p0 [hbm:s0], s1  }
0x8f: {  	s0 =	simm.s32 @!p0 $0x7  }
0x90: {  	_ =	swait.ge @!p0 [sflag:s0], s1  }
0x91: {  	s1 =	ssub.s32 @!p0 $0x0, s1;
	[sflag:s0] =	ssyncset.done @!p0 $0x0  }
0x92: {  	[sflag:s0] =	ssyncadd.s32 @!p0 s1  }
0x93: {  	[bflag:$0x3] =	sbarrier.arrive $0xFFFF  }
0x94: {  	_ =	shalt  }

// kernel: kernel.8.cloned.1.call-start
scs
__scs_entry_jumppad:
0x0: {  	(pc) =	sbr.rel $0x88, $3  }
0x1: {  	(tag) =	ssettag $0x0;
	lr =	simm.s32 $0x1  }
0x2: {  	[smem:$0x3F96] =	sst lr;
	_ =	strace $0xD0000000  }
0x3: {  	_ = 	snop  }
0x4: {  	_ = 	snop  }
0x5: {  	_ = 	snop  }
0x6: {  	_ = 	snop  }
0x7: {  	_ = 	snop  }
__scs_overlays_trampoline_lowered:
0x8: {  	[smem:$0x3FA5] =	sst s0  }
0x9: {  	[smem:$0x3FA6] =	sst s1  }
0xa: {  	[smem:$0x3FA7] =	sst s2  }
0xb: {  	[smem:$0x3FA8] =	sst s3  }
0xc: {  	[smem:$0x3FA9] =	sst s4  }
0xd: {  	[smem:$0x3FAA] =	sst s5  }
0xe: {  	[smem:$0x3FAB] =	sst s6  }
0xf: {  	[smem:$0x3FAC] =	sst s7  }
0x10: {  	[smem:$0x3FAD] =	sst s8  }
0x11: {  	[smem:$0x3FAE] =	sst s9;
	s0 =	simm.s32 @!p0 $0x0  }
0x12: {  	s1 =	sld [smem:$0x3F94];
	s0 =	simm.s32 @p0 $0x1  }
0x13: {  	[smem:$0x3FAF] =	sst s0;
	s0 =	simm.s32 @!p1 $0x0  }
0x14: {  	s2 =	sld [smem:$0x3F93];
	s0 =	simm.s32 @p1 $0x1  }
0x15: {  	[smem:$0x3FB0] =	sst s0;
	s0 =	simm.s32 @!p2 $0x0  }
0x16: {  	s3 =	sld [smem:$0x3FDB];
	s0 =	simm.s32 @p2 $0x1  }
0x17: {  	s4 =	simm.s32 $0x1BF5;
	[smem:$0x3FB2] =	sst s0  }
0x18: {  	s0 =	sld [smem:$0x3F95];
	_ =	swait.ge [sflag:s4], $0x0  }
0x19: {  	s7 =	sld [smem:$0x3F96]  }
0x1a: {  	s8 =	sadd.s32 $0xFFFFE003, lr  }
0x1b: {  	s9 =	sadd.s32 $0xFFFFFEF7, lr;
	s5 =	simm.s32 $0xFFFFFFFF;
	p2 =	slt.u32 s8, $0xFFFFF086  }
0x1c: {  	p1 =	slt.u32 s9, $0xF7A;
	s5 =	simm.s32 @!p2 $0x0  }
0x1d: {  	s5 =	simm.s32 @p1 $0x1;
	p0 =	seq.s32 s7, s2  }
0x1e: {  	s7 =	smul.u32 @!p0 $0xF7A, s2;
	p2 =	seq.s32 @!p0 s5, $0x0  }
0x1f: {  	s9 =	smul.u32 $0xF7A, s1;
	s8 =	simm.s32 @!p0 $0x1BF5;
	p2 =	por !p2, p0  }
0x20: {  	[sflag:s8] =	ssyncset.s32 @!p0 $0xFFFFF086;
	s6 =	sadd.s32 @!p0 s3, s7;
	s7 =	simm.s32 @!p0 $0x108  }
0x21: {  	s3 =	sadd.s32 s3, s9;
	s6 =	sadd.s32 @!p0 $0x88, s6;
	s7 =	simm.s32 @p2 $0x1082  }
0x22: {  	[simem:s7], [sflag:s8] =	dma.local @!p0 [hbm:s6], $0xF7A  }
0x23: {  	s9 =	sor.u32 $0xD0000000, s2;
	s6 =	simm.s32 $0x108;
	_ =	swait.ge @!p0 [sflag:s8], $0x0  }
0x24: {  	s3 =	sadd.s32 $0x88, s3;
	s6 =	simm.s32 @!p1 $0x1082;
	[sflag:s4] =	ssyncset.s32 $0xFFFFF086  }
0x25: {  	[simem:s6], [sflag:s4] =	dma.local [hbm:s3], $0xF7A  }
0x26: {  	[smem:$0x3F96] =	sst s1;
	(tag) =	ssettag s2;
	_ =	strace s9  }
0x27: {  	s1 =	sld [smem:$0x3FA6]  }
0x28: {  	s2 =	sld [smem:$0x3FA7]  }
0x29: {  	s4 =	sld [smem:$0x3FA9]  }
0x2a: {  	p0 =	seq.s32 s5, $0x0;
	s5 =	sld [smem:$0x3FAA]  }
0x2b: {  	s6 =	sld [smem:$0x3FAB]  }
0x2c: {  	s7 =	sld [smem:$0x3FAC]  }
0x2d: {  	s3 =	simm.s32 $0x108;
	s8 =	sld [smem:$0x3FAD]  }
0x2e: {  	s3 =	simm.s32 @!p0 $0x1082;
	s9 =	sld [smem:$0x3FAE]  }
0x2f: {  	lr =	sadd.s32 s0, s3;
	s0 =	sld [smem:$0x3FA5]  }
0x30: {  	s3 =	sld [smem:$0x3FA8]  }
0x31: {  	[smem:$0x3FB1] =	sst s10  }
0x32: {  	s10 =	sld [smem:$0x3FAF];
	_ =	sdelay $0x3  }
0x33: {  	p0 =	seq.s32 s10, $0x1;
	s10 =	sld [smem:$0x3FB1];
	_ =	sdelay $0x3  }
0x34: {  	[smem:$0x3FB1] =	sst s10  }
0x35: {  	s10 =	sld [smem:$0x3FB0];
	_ =	sdelay $0x3  }
0x36: {  	p1 =	seq.s32 s10, $0x1;
	s10 =	sld [smem:$0x3FB1];
	_ =	sdelay $0x3  }
0x37: {  	[smem:$0x3FB1] =	sst s10  }
0x38: {  	s10 =	sld [smem:$0x3FB2]  }
0x39: {  	_ = 	snop;
	(pc) =	sbr.ind lr, $3  }
0x3a: {  	_ = 	snop  }
0x3b: {  	_ = 	snop  }
0x3c: {  	p2 =	seq.s32 s10, $0x1;
	s10 =	sld [smem:$0x3FB1]  }
0x3d: {  	_ =	shalt  }
0x3e: {  	_ =	shalt  }
0x3f: {  	_ =	shalt  }
0x40: {  	_ =	shalt  }
0x41: {  	_ =	shalt  }
0x42: {  	_ =	shalt  }
0x43: {  	_ =	shalt  }
0x44: {  	_ =	shalt  }
0x45: {  	_ =	shalt  }
0x46: {  	_ =	shalt  }
0x47: {  	_ =	shalt  }
0x48: {  	_ =	shalt  }
0x49: {  	_ =	shalt  }
0x4a: {  	_ =	shalt  }
0x4b: {  	_ =	shalt  }
0x4c: {  	_ =	shalt  }
0x4d: {  	_ =	shalt  }
0x4e: {  	_ =	shalt  }
0x4f: {  	_ =	shalt  }
0x50: {  	_ =	shalt  }
0x51: {  	_ =	shalt  }
0x52: {  	_ =	shalt  }
0x53: {  	_ =	shalt  }
0x54: {  	_ =	shalt  }
0x55: {  	_ =	shalt  }
0x56: {  	_ =	shalt  }
0x57: {  	_ =	shalt  }
0x58: {  	_ =	shalt  }
0x59: {  	_ =	shalt  }
0x5a: {  	_ =	shalt  }
0x5b: {  	_ =	shalt  }
0x5c: {  	_ =	shalt  }
0x5d: {  	_ =	shalt  }
0x5e: {  	_ =	shalt  }
0x5f: {  	_ =	shalt  }
0x60: {  	_ =	shalt  }
0x61: {  	_ =	shalt  }
0x62: {  	_ =	shalt  }
0x63: {  	_ =	shalt  }
0x64: {  	_ =	shalt  }
0x65: {  	_ =	shalt  }
0x66: {  	_ =	shalt  }
0x67: {  	_ =	shalt  }
0x68: {  	_ =	shalt  }
0x69: {  	_ =	shalt  }
0x6a: {  	_ =	shalt  }
0x6b: {  	_ =	shalt  }
0x6c: {  	_ =	shalt  }
0x6d: {  	_ =	shalt  }
0x6e: {  	_ =	shalt  }
0x6f: {  	_ =	shalt  }
0x70: {  	_ =	shalt  }
0x71: {  	_ =	shalt  }
0x72: {  	_ =	shalt  }
0x73: {  	_ =	shalt  }
0x74: {  	_ =	shalt  }
0x75: {  	_ =	shalt  }
0x76: {  	_ =	shalt  }
0x77: {  	_ =	shalt  }
0x78: {  	_ =	shalt  }
0x79: {  	_ =	shalt  }
0x7a: {  	_ =	shalt  }
0x7b: {  	_ =	shalt  }
0x7c: {  	_ =	shalt  }
0x7d: {  	_ =	shalt  }
0x7e: {  	_ =	shalt  }
0x7f: {  	_ =	shalt  }
0x80: {  	_ =	shalt  }
0x81: {  	_ =	shalt  }
0x82: {  	_ =	shalt  }
0x83: {  	_ =	shalt  }
0x84: {  	_ =	shalt  }
0x85: {  	_ =	shalt  }
0x86: {  	_ =	shalt  }
0x87: {  	_ =	shalt  }
.Lfunc_end0:
.L_simem_size_0:
called_computation_lowered:
.L_overlay_start_0:
0x88: {  	s2 =	sld [smem:$0x3FD9]  }
0x89: {  	s3 =	sld [smem:$0x3FFE];
	_ =	sdelay $0x1  }
0x8a: {  	s1 =	srdreg.scid  }
0x8b: {  	s0 =	sand.u32 $0x1, s1  }
0x8c: {  	s14 =	sshll.u32 s0, $0xA;
	s2 =	sadd.s32 s3, s2  }
0x8d: {  	s2 =	sadd.s32 s2, s14  }
0x8e: {  	[smem:$0x3FBD] =	sst s2  }
0x8f: {  	_ = 	snop  }
0x90: {  	s2 =	sld [smem:$0x3FD0]  }
0x91: {  	s15 =	sld [smem:$0x3FC9]  }
0x92: {  	s4 =	sld [smem:$0x3FC5]  }
0x93: {  	s6 =	simm.s32 $0xC;
	s7 =	simm.s32 $0x10;
	s5 =	sld [smem:$0x3FC4]  }
0x94: {  	[smem:s7], [sflag:s6] =	dma.local [hbm:s2], $0x1  }
0x95: {  	_ =	swait.eq [sflag:s6], $0x1  }
0x96: {  	[sflag:s6] =	ssyncset.done $0x0  }
0x97: {  	[sflag:s6] =	ssyncadd.s32 $0xFFFFFFFF  }
0x98: {  	s16 =	sld [smem:$0x10];
	(tm) =	ssettm $0x1  }
0x99: {  	s17 =	sld [smem:$0x3FFB];
	_ =	sdelay $0x3  }
0x9a: {  	_ =	strace s17  }
0x9b: {  	s6 =	sld [smem:$0x3FFC];
	_ =	sdelay $0x3  }
0x9c: {  	_ =	strace s6  }
0x9d: {  	s6 =	sld [smem:$0x3FFD];
	_ =	sdelay $0x3  }
0x9e: {  	_ =	strace s6  }
0x9f: {  	_ =	strace $0x8FFFFFFF  }
0xa0: {  	s18 =	sld [smem:$0x3FDB];
	_ =	sdelay $0x1  }
0xa1: {  	s19 =	simm.s32 $_scs_section_size  }
0xa2: {  	s8 =	simm.s32 $_size__tile_overlayer_lowered;
	s9 =	simm.s32 $_tile_overlayer_lowered  }
0xa3: {  	s22 =	simm.s32 $0x1BFF;
	s21 =	sshll.u32 s9, $0x1;
	s6 =	sadd.s32 s19, s18  }
0xa4: {  	s10 =	simm.s32 $0x0;
	s20 =	sshll.u32 s8, $0x1;
	s8 =	sadd.s32 s21, s6  }
0xa5: {  	[timem:s10], [sflag:s22] =	dma.local [hbm:s8], s20  }
0xa6: {  	_ =	swait.ge [sflag:s22], s20  }
0xa7: {  	s7 =	ssub.s32 $0x0, s20;
	[sflag:s22] =	ssyncset.done $0x0  }
0xa8: {  	[sflag:s22] =	ssyncadd.s32 s7;
	_ =	sdelay $0x1  }
0xa9: {  	s23 =	simm.s32 $0x1B8B  }
0xaa: {  	_ =	swait.ge [sflag:s23], $0x1  }
0xab: {  	[sflag:s23] =	ssyncset.done $0x0  }
0xac: {  	s25 =	simm.s32 $0x1B8E;
	s24 =	sld [smem:$0x3FFE];
	[sflag:s23] =	ssyncadd.s32 $0xFFFFFFFF  }
0xad: {  	s26 =	simm.s32 $execute0_lowered;
	[smem:$0x3FD2] =	sst s25  }
0xae: {  	s8 =	sshll.u32 s26, $0x1;
	_ =	strace $0x80000046;
	[dreg:$0x1] =	wrdreg $0xFFFFFFFF  }
0xaf: {  	s28 =	simm.s32 $_size_execute0_lowered;
	s6 =	sadd.s32 s6, s8;
	[dreg:$0x0] =	wrdreg $0x0  }
0xb0: {  	s8 =	sshll.u32 s28, $0x1;
	[dreg:$0x2] =	wrdreg s6  }
0xb1: {  	[dreg:$0x3] =	wrdreg s8  }
0xb2: {  	[dreg:$0x4] =	wrdreg $0xC0  }
0xb3: {  	_ =	task [dreg:s10], $0x5FFFF  }
0xb4: {  	[dreg:$0x1] =	wrdreg $0xFFFFFFFF  }
0xb5: {  	[dreg:$0x0] =	wrdreg $0x60  }
0xb6: {  	[dreg:$0x2] =	wrdreg s4  }
0xb7: {  	[dreg:$0x3] =	wrdreg s5  }
0xb8: {  	[dreg:$0x4] =	wrdreg s15  }
0xb9: {  	[dreg:$0x5] =	wrdreg s24  }
0xba: {  	[dreg:$0x6] =	wrdreg s16  }
0xbb: {  	[dreg:$0x7] =	wrdreg $0x9  }
0xbc: {  	_ =	task.clear_ibuf [dreg:s10], $0x8FFFF;
	_ =	strace $0x90000046  }
0xbd: {  	s29 =	simm.s32 $0x9;
	_ =	strace $0x80000048  }
0xbe: {  	_ =	swait.ge [sflag:s29], $0x1  }
0xbf: {  	[sflag:s29] =	ssyncadd.s32 $0xFFFFFFFF  }
0xc0: {  	_ =	strace $0x90000048  }
0xc1: {  	_ =	sfence  }
0xc2: {  	s30 =	sld [smem:$0x0];
	_ =	sdelay $0x2  }
0xc3: {  	s31 =	sshll.u32 s1, $0xD;
	s1 =	sshrl.u32 s1, $0x2  }
0xc4: {  	s3 =	sand.u32 $0x4000, s31;
	s1 =	sadd.s32 s1, s30  }
0xc5: {  	s0 =	sor.u32 s3, s0;
	s1 =	sshll.u32 s1, $0x11  }
0xc6: {  	s0 =	sor.u32 s1, s0  }
0xc7: {  	s0 =	sadd.s32 $0x8F2B, s0  }
0xc8: {  	[sflag:s0] =	ssyncadd.remote.s32 $0x1  }
0xc9: {  	_ =	sfence.sel $0xFFFF  }
0xca: {  	[dreg:$0x0] =	wrdreg $0xFFFFFFFF;
	(pc) =	sbr.abs _section_cstart, $3  }
0xcb: {  	[dreg:$0x1] =	wrdreg $0xFFFFFFFF  }
0xcc: {  	_ =	task.clear_ibuf [dreg:s10], $0x2FFFF;
	_ =	strace $0x9FFFFFFF  }
0xcd: {  	(tm) =	ssettm $0x7FFFFFFF  }
tec
execute0_lowered:
.L_overlay_start_1:
0x0: {  	(tag) =	ssettag $0x1  }
0x1: {  	s1 =	rddreg [dreg:$0x0]  }
0x2: {  	s2 =	rddreg [dreg:$0x1]  }
0x3: {  	s5 =	rddreg [dreg:$0x2];
	s3 =	srdreg.scid  }
0x4: {  	s18 =	rddreg [dreg:$0x3];
	s0 =	stileid.u32;
	s29 =	sand.u32 $0x1, s3  }
0x5: {  	s28 =	rddreg [dreg:$0x4];
	s6 =	sshll.u32 s0, $0xA;
	s7 =	sshll.u32 s29, $0x9  }
0x6: {  	s4 =	simm.s32 $0x0;
	s3 =	rddreg [dreg:$0x5];
	s19 =	sor.u32 s7, s6  }
0x7: {  	[smem:$0x7FF] =	sst s4;
	s30 =	sshrl.u32 s19, $0x3  }
0x8: {  	_ =	strace $0x80000047;
	s6 =	sadd.s32 s5, s30;
	s5 =	simm.s32 $0x7  }
0x9: {  	[tilespmem:s4], [sflag:$0x7] =	stream.linear.gather [hbm4b:s6+s4], $0x200, $0x38;
	[tilespmem:$0xC400] =	vst v63  }
0xa: {  	_ =	swait.ge [sflag:s5], $0x200  }
0xb: {  	[sflag:s5] =	ssyncset.done $0x0  }
0xc: {  	s8 =	simm.s32 $0xC200;
	s7 =	simm.s32 $0x80;
	[sflag:s5] =	ssyncadd.s32 $0xFFFFFE00  }
0xd: {  	[tilespmem:s8], [sflag:$0x1] =	stream.indirect.gather [hbm4b:s2+s7], $0x1, s4, s7, $0xb8;
	[tilespmem:$0xC400] =	vst v63  }
0xe: {  	s9 =	simm.s32 $0xC280  }
0xf: {  	[tilespmem:s9], [sflag:$0x1] =	stream.indirect.gather [hbm4b:s2+s7], $0x1, s7, s7, $0xb8;
	[tilespmem:$0xC400] =	vst v63  }
0x10: {  	s10 =	simm.s32 $0x100;
	s11 =	simm.s32 $0xC300  }
0x11: {  	[tilespmem:s11], [sflag:$0x1] =	stream.indirect.gather [hbm4b:s2+s7], $0x1, s10, s7, $0xb8;
	[tilespmem:$0xC400] =	vst v63  }
0x12: {  	s12 =	simm.s32 $0x180;
	s13 =	simm.s32 $0xC380  }
0x13: {  	[tilespmem:s13], [sflag:$0x1] =	stream.indirect.gather [hbm4b:s2+s7], $0x1, s12, s7, $0xb8;
	[tilespmem:$0xC400] =	vst v63  }
0x14: {  	s14 =	simm.s32 $0x200  }
0x15: {  	[tilespmem:s14], [sflag:$0x2] =	stream.indirect.gather [hbm4b:s1+s7], $0x80, s4, s7, $0xb8;
	[tilespmem:$0xC400] =	vst v63  }
0x16: {  	s15 =	simm.s32 $0x4200  }
0x17: {  	[tilespmem:s15], [sflag:$0x3] =	stream.indirect.gather [hbm4b:s1+s7], $0x80, s7, s7, $0xb8;
	[tilespmem:$0xC400] =	vst v63  }
0x18: {  	s16 =	simm.s32 $0x8200;
	s17 =	simm.s32 $0x2  }
0x19: {  	[tilespmem:s16], [sflag:$0x4] =	stream.indirect.gather [hbm4b:s1+s7], $0x80, s10, s7, $0xb8;
	[tilespmem:$0xC400] =	vst v63  }
0x1a: {  	s19 =	sshll.u32 s19, $0x4;
	_ =	swait.ge [sflag:s17], $0x4000  }
0x1b: {  	s24 =	sadd.s32 s19, s18;
	[sflag:s17] =	ssyncset.done $0x0  }
0x1c: {  	s19 =	simm.s32 $0x5;
	s18 =	sadd.s32 $0x2E00, s24;
	[sflag:s17] =	ssyncadd.s32 $0xFFFFC000  }
0x1d: {  	[hbm4b:s18+s4] =	stream.linear.scatter [tilespmem:s14], [sflag:$0x5], $0x4000, $0x38;
	[tilespmem:$0xC400] =	vst v63  }
0x1e: {  	_ =	swait.ge [sflag:s19], $0x4000  }
0x1f: {  	[sflag:s19] =	ssyncset.done $0x0  }
0x20: {  	s20 =	simm.s32 $0x3;
	[sflag:s19] =	ssyncadd.s32 $0xFFFFC000  }
0x21: {  	[tilespmem:s14], [sflag:$0x2] =	stream.indirect.gather [hbm4b:s1+s7], $0x80, s12, s7, $0xb8;
	[tilespmem:$0xC400] =	vst v63  }
0x22: {  	_ =	swait.ge [sflag:s20], $0x4000  }
0x23: {  	[sflag:s20] =	ssyncset.done $0x0  }
0x24: {  	s22 =	simm.s32 $0x4;
	s21 =	sadd.s32 $0x3600, s24;
	[sflag:s20] =	ssyncadd.s32 $0xFFFFC000  }
0x25: {  	[hbm4b:s21+s4] =	stream.linear.scatter [tilespmem:s15], [sflag:$0x6], $0x4000, $0x38;
	[tilespmem:$0xC400] =	vst v63  }
0x26: {  	_ =	swait.ge [sflag:s22], $0x4000  }
0x27: {  	[sflag:s22] =	ssyncset.done $0x0  }
0x28: {  	s23 =	sadd.s32 $0x3E00, s24;
	[sflag:s22] =	ssyncadd.s32 $0xFFFFC000  }
0x29: {  	[hbm4b:s23+s4] =	stream.linear.scatter [tilespmem:s16], [sflag:$0x5], $0x4000, $0x38;
	[tilespmem:$0xC400] =	vst v63  }
0x2a: {  	_ =	swait.ge [sflag:s17], $0x4000  }
0x2b: {  	[sflag:s17] =	ssyncset.done $0x0  }
0x2c: {  	s25 =	simm.s32 $0x6;
	s24 =	sadd.s32 $0x4600, s24;
	[sflag:s17] =	ssyncadd.s32 $0xFFFFC000  }
0x2d: {  	[hbm4b:s24+s4] =	stream.linear.scatter [tilespmem:s14], [sflag:$0x6], $0x4000, $0x38;
	[tilespmem:$0xC400] =	vst v63  }
0x2e: {  	_ =	swait.ge [sflag:s25], $0x4000  }
0x2f: {  	[sflag:s25] =	ssyncset.done $0x0  }
0x30: {  	[sflag:s25] =	ssyncadd.s32 $0xFFFFC000  }
0x31: {  	_ =	swait.ge [sflag:s19], $0x4000  }
0x32: {  	[sflag:s19] =	ssyncset.done $0x0  }
0x33: {  	[sflag:s19] =	ssyncadd.s32 $0xFFFFC000  }
0x34: {  	_ =	swait.ge [sflag:s25], $0x4000  }
0x35: {  	[sflag:s25] =	ssyncset.done $0x0  }
0x36: {  	s26 =	simm.s32 $0x1;
	[sflag:s25] =	ssyncadd.s32 $0xFFFFC000  }
0x37: {  	_ =	swait.ge [sflag:s26], $0x80  }
0x38: {  	[sflag:s26] =	ssyncset.done $0x0  }
0x39: {  	[sflag:s26] =	ssyncadd.s32 $0xFFFFFF80  }
0x3a: {  	_ =	swait.ge [sflag:s26], $0x80  }
0x3b: {  	[sflag:s26] =	ssyncset.done $0x0  }
0x3c: {  	s29 =	ssub.s32 $0x2, s29;
	[sflag:s26] =	ssyncadd.s32 $0xFFFFFF80  }
0x3d: {  	s31 =	sshrl.u32 s29, $0x1;
	_ =	swait.ge [sflag:s26], $0x80  }
0x3e: {  	s29 =	ssub.s32 s29, s31;
	[sflag:s26] =	ssyncset.done $0x0  }
0x3f: {  	s29 =	smax.u32 s29, $0x1;
	[sflag:s26] =	ssyncadd.s32 $0xFFFFFF80  }
0x40: {  	p0 =	sne.s32 s29, $0x1;
	_ =	swait.ge [sflag:s26], $0x80  }
.Ltmp0:
0x41: {  	[sflag:s26] =	ssyncset.done $0x0;
	(pc) =	sbr.rel @!p0 .LBB2_2-.Ltmp0, $4  }
0x42: {  	s28 =	sadd.s32 s28, s30;
	[sflag:s26] =	ssyncadd.s32 $0xFFFFFF80  }
0x43: {  	[hbm4b:s28+s4] =	stream.linear.scatter [tilespmem:s8], [sflag:$0x7], $0x200, $0x38;
	[tilespmem:$0xC400] =	vst v63  }
0x44: {  	_ =	swait.ge [sflag:s5], $0x200  }
0x45: {  	s29 =	sadd.s32 $0xFFFFFFFF, s29;
	[sflag:s5] =	ssyncset.done $0x0  }
.LBB2_1:
0x46: {  	p0 =	sne.s32 s29, $0x1;
	s29 =	sadd.s32 $0xFFFFFFFF, s29;
	[sflag:s5] =	ssyncadd.s32 $0xFFFFFE00  }
0x47: {  	[tilespmem:s4], [sflag:$0x7] =	stream.linear.gather [hbm4b:s6+s4], $0x200, $0x38;
	[tilespmem:$0xC400] =	vst v63  }
0x48: {  	_ =	swait.ge [sflag:s5], $0x200  }
0x49: {  	[sflag:s5] =	ssyncset.done $0x0  }
0x4a: {  	[sflag:s5] =	ssyncadd.s32 $0xFFFFFE00  }
0x4b: {  	[tilespmem:s8], [sflag:$0x1] =	stream.indirect.gather [hbm4b:s2+s7], $0x1, s4, s7, $0xb8;
	[tilespmem:$0xC400] =	vst v63  }
0x4c: {  	_ = 	snop  }
0x4d: {  	[tilespmem:s9], [sflag:$0x1] =	stream.indirect.gather [hbm4b:s2+s7], $0x1, s7, s7, $0xb8;
	[tilespmem:$0xC400] =	vst v63  }
0x4e: {  	_ = 	snop  }
0x4f: {  	[tilespmem:s11], [sflag:$0x1] =	stream.indirect.gather [hbm4b:s2+s7], $0x1, s10, s7, $0xb8;
	[tilespmem:$0xC400] =	vst v63  }
0x50: {  	_ = 	snop  }
0x51: {  	[tilespmem:s13], [sflag:$0x1] =	stream.indirect.gather [hbm4b:s2+s7], $0x1, s12, s7, $0xb8;
	[tilespmem:$0xC400] =	vst v63  }
0x52: {  	_ = 	snop  }
0x53: {  	[tilespmem:s14], [sflag:$0x2] =	stream.indirect.gather [hbm4b:s1+s7], $0x80, s4, s7, $0xb8;
	[tilespmem:$0xC400] =	vst v63  }
0x54: {  	_ = 	snop  }
0x55: {  	[tilespmem:s15], [sflag:$0x3] =	stream.indirect.gather [hbm4b:s1+s7], $0x80, s7, s7, $0xb8;
	[tilespmem:$0xC400] =	vst v63  }
0x56: {  	_ = 	snop  }
0x57: {  	[tilespmem:s16], [sflag:$0x4] =	stream.indirect.gather [hbm4b:s1+s7], $0x80, s10, s7, $0xb8;
	[tilespmem:$0xC400] =	vst v63  }
0x58: {  	_ =	swait.ge [sflag:s17], $0x4000  }
0x59: {  	[sflag:s17] =	ssyncset.done $0x0  }
0x5a: {  	[sflag:s17] =	ssyncadd.s32 $0xFFFFC000  }
0x5b: {  	[hbm4b:s18+s4] =	stream.linear.scatter [tilespmem:s14], [sflag:$0x5], $0x4000, $0x38;
	[tilespmem:$0xC400] =	vst v63  }
0x5c: {  	_ =	swait.ge [sflag:s19], $0x4000  }
0x5d: {  	[sflag:s19] =	ssyncset.done $0x0  }
0x5e: {  	[sflag:s19] =	ssyncadd.s32 $0xFFFFC000  }
0x5f: {  	[tilespmem:s14], [sflag:$0x2] =	stream.indirect.gather [hbm4b:s1+s7], $0x80, s12, s7, $0xb8;
	[tilespmem:$0xC400] =	vst v63  }
0x60: {  	_ =	swait.ge [sflag:s20], $0x4000  }
0x61: {  	[sflag:s20] =	ssyncset.done $0x0  }
0x62: {  	[sflag:s20] =	ssyncadd.s32 $0xFFFFC000  }
0x63: {  	[hbm4b:s21+s4] =	stream.linear.scatter [tilespmem:s15], [sflag:$0x6], $0x4000, $0x38;
	[tilespmem:$0xC400] =	vst v63  }
0x64: {  	_ =	swait.ge [sflag:s22], $0x4000  }
0x65: {  	[sflag:s22] =	ssyncset.done $0x0  }
0x66: {  	[sflag:s22] =	ssyncadd.s32 $0xFFFFC000  }
0x67: {  	[hbm4b:s23+s4] =	stream.linear.scatter [tilespmem:s16], [sflag:$0x5], $0x4000, $0x38;
	[tilespmem:$0xC400] =	vst v63  }
0x68: {  	_ =	swait.ge [sflag:s17], $0x4000  }
0x69: {  	[sflag:s17] =	ssyncset.done $0x0  }
0x6a: {  	[sflag:s17] =	ssyncadd.s32 $0xFFFFC000  }
0x6b: {  	[hbm4b:s24+s4] =	stream.linear.scatter [tilespmem:s14], [sflag:$0x6], $0x4000, $0x38;
	[tilespmem:$0xC400] =	vst v63  }
0x6c: {  	_ =	swait.ge [sflag:s25], $0x4000  }
0x6d: {  	[sflag:s25] =	ssyncset.done $0x0  }
0x6e: {  	[sflag:s25] =	ssyncadd.s32 $0xFFFFC000  }
0x6f: {  	_ =	swait.ge [sflag:s19], $0x4000  }
0x70: {  	[sflag:s19] =	ssyncset.done $0x0  }
0x71: {  	[sflag:s19] =	ssyncadd.s32 $0xFFFFC000  }
0x72: {  	_ =	swait.ge [sflag:s25], $0x4000  }
0x73: {  	[sflag:s25] =	ssyncset.done $0x0  }
0x74: {  	[sflag:s25] =	ssyncadd.s32 $0xFFFFC000  }
0x75: {  	_ =	swait.ge [sflag:s26], $0x80  }
0x76: {  	[sflag:s26] =	ssyncset.done $0x0  }
0x77: {  	[sflag:s26] =	ssyncadd.s32 $0xFFFFFF80  }
0x78: {  	_ =	swait.ge [sflag:s26], $0x80  }
0x79: {  	[sflag:s26] =	ssyncset.done $0x0  }
0x7a: {  	[sflag:s26] =	ssyncadd.s32 $0xFFFFFF80  }
0x7b: {  	_ =	swait.ge [sflag:s26], $0x80  }
0x7c: {  	[sflag:s26] =	ssyncset.done $0x0  }
0x7d: {  	[sflag:s26] =	ssyncadd.s32 $0xFFFFFF80  }
0x7e: {  	_ =	swait.ge [sflag:s26], $0x80  }
.Ltmp1:
0x7f: {  	[sflag:s26] =	ssyncset.done $0x0;
	(pc) =	sbr.rel @p0 .LBB2_1-.Ltmp1, $4  }
0x80: {  	[sflag:s26] =	ssyncadd.s32 $0xFFFFFF80  }
0x81: {  	[hbm4b:s28+s4] =	stream.linear.scatter [tilespmem:s8], [sflag:$0x7], $0x200, $0x38;
	[tilespmem:$0xC400] =	vst v63  }
0x82: {  	_ =	swait.ge [sflag:s5], $0x200  }
0x83: {  	[sflag:s5] =	ssyncset.done $0x0  }
.LBB2_2:
0x84: {  	[sflag:s5] =	ssyncadd.s32 $0xFFFFFE00  }
0x85: {  	_ =	sfence.sel $0x180000  }
0x86: {  	[bflag:$0x0] =	sbarrier.arrive $0xFFFF  }
0x87: {  	p0 =	sne.s32 s0, $0x0;
	_ =	strace $0x90000047  }
0x88: {  	s0 =	sadd.s32 @!p0 $0x100000, s3;
	[bflag:$0x2] =	sbarrier.arrive $0xFFFF  }
0x89: {  	[sflag:s0] =	ssyncadd.tile.s32 @!p0 $0x1;
	_ =	shalt  }
.Lfunc_end2:
_tile_overlayer_lowered:
.L_overlay_start_2:
0x8a: {  	(tag) =	ssettag $0x2  }
0x8b: {  	s0 =	rddreg [dreg:$0x0];
	s2 =	stileid.u32  }
0x8c: {  	s1 =	rddreg [dreg:$0x1];
	p0 =	sne.s32 s2, $0x0  }
0x8d: {  	s3 =	rddreg [dreg:$0x2];
	[bflag:$0x3] =	sbarrier.arrive $0xFFFF;
	s2 =	simm.s32 @!p0 $0x1C07  }
0x8e: {  	[timem:s3], [sflag:s2] =	dma.local @!p0 [hbm:s0], s1  }
0x8f: {  	s0 =	simm.s32 @!p0 $0x7  }
0x90: {  	_ =	swait.ge @!p0 [sflag:s0], s1  }
0x91: {  	s1 =	ssub.s32 @!p0 $0x0, s1;
	[sflag:s0] =	ssyncset.done @!p0 $0x0  }
0x92: {  	[sflag:s0] =	ssyncadd.s32 @!p0 s1  }
0x93: {  	[bflag:$0x3] =	sbarrier.arrive $0xFFFF  }
0x94: {  	_ =	shalt  }

</sc_bundles>
